<compile_context>
chip_gen: v7x
topology: tpu7x:2x2x1
jax: 0.10.2.dev20260603
libtpu: 0.0.44.dev20260713+nightly
codegen_flags: <defaults>
</compile_context>

<pallas_src>
import jax
import jax.numpy as jnp
from jax import lax
from jax.experimental import pallas as pl
from jax.experimental.pallas import tpu as pltpu
from jax.experimental.pallas import tpu_sc as plsc

N = 10000
E = 320000
NUM_TYPES = 512
EMB = 128
HID = 128
NUM_GRAPHS = 64

NC = 2
NS = 16
NW = NC * NS
EB = 128
NB_E = 80
CB = 40
EP = NW * NB_E * EB
NP = 10240
RPT = NP // NS
XB = 40
NB_X = (NP // NW) // XB

_f32 = jnp.float32


def _worker_id():
  c = lax.axis_index("c")
  s = lax.axis_index("s")
  return s * NC + c, c, s


def _sc_deg_gather_body(xt_hbm, dst_hbm, emb_hbm, ones_hbm, zeros_hbm,
                        deg_out, x_out,
                        dst_idx, xt_idx, ones_v, xr0, xr1, sx0, sx1, acc):
  wid, c, s = _worker_id()
  pltpu.sync_copy(dst_hbm.at[pl.ds(wid * NB_E, NB_E)], dst_idx)
  pltpu.sync_copy(xt_hbm.at[wid], xt_idx)
  pltpu.sync_copy(ones_hbm, ones_v)
  pltpu.sync_copy(zeros_hbm.at[pl.ds(s * RPT, RPT)],
                  acc.at[pl.ds(s * RPT, RPT)])
  plsc.subcore_barrier()

  def gx(j, buf, sem):
    pltpu.async_copy(emb_hbm.at[xt_idx.at[j]], buf, sem)

  def wx(j, buf, sem):
    pltpu.make_async_copy(emb_hbm.at[xt_idx.at[j]], buf, sem).wait()

  def deg_burst(base):
    def deg_body(b):
      pltpu.sync_copy(ones_v, acc.at[dst_idx.at[b]], add=True)
    pl.loop(base, base + NB_E // NB_X)(deg_body)

  gx(0, xr0, sx0)

  def phase(j):
    burst = NB_E // NB_X
    wx(j, xr0, sx0)
    gx(j + 1, xr1, sx1)
    deg_burst(j * burst)
    pltpu.sync_copy(xr0, x_out.at[pl.ds(wid * (NB_X * XB) + j * XB, XB)])
    wx(j + 1, xr1, sx1)
    gx(j + 2, xr0, sx0)
    deg_burst((j + 1) * burst)
    pltpu.sync_copy(xr1, x_out.at[pl.ds(wid * (NB_X * XB) + (j + 1) * XB, XB)])

  pl.loop(0, NB_X, step=2)(phase)
  wx(NB_X, xr0, sx0)

  plsc.subcore_barrier()
  pltpu.sync_copy(acc.at[pl.ds(s * RPT, RPT)],
                  deg_out.at[c, pl.ds(s * RPT, RPT)])


def _sc_conv_body(g_hbm, src_hbm, dst_hbm, zeros_hbm,
                  acc_out,
                  src_c, dst_c, rows0, rows1, sem0, sem1, acc):
  wid, c, s = _worker_id()
  pltpu.sync_copy(zeros_hbm.at[pl.ds(s * RPT, RPT)],
                  acc.at[pl.ds(s * RPT, RPT)])
  plsc.subcore_barrier()

  def chunk(j):
    base = wid * NB_E + j * CB
    pltpu.sync_copy(src_hbm.at[pl.ds(base, CB)], src_c)
    pltpu.sync_copy(dst_hbm.at[pl.ds(base, CB)], dst_c)
    pltpu.async_copy(g_hbm.at[src_c.at[0]], rows0, sem0)

    def pair(t):
      pltpu.async_copy(g_hbm.at[src_c.at[t + 1]], rows1, sem1)
      pltpu.make_async_copy(g_hbm.at[src_c.at[t]], rows0, sem0).wait()
      pltpu.sync_copy(rows0, acc.at[dst_c.at[t]], add=True)

      @pl.when(t + 2 < CB)
      def _():
        pltpu.async_copy(g_hbm.at[src_c.at[t + 2]], rows0, sem0)
      pltpu.make_async_copy(g_hbm.at[src_c.at[t + 1]], rows1, sem1).wait()
      pltpu.sync_copy(rows1, acc.at[dst_c.at[t + 1]], add=True)

    pl.loop(0, CB, step=2)(pair)

  pl.loop(0, NB_E // CB)(chunk)

  plsc.subcore_barrier()
  pltpu.sync_copy(acc.at[pl.ds(s * RPT, RPT)],
                  acc_out.at[c, pl.ds(s * RPT, RPT)])


def _make_sc_kernels():
  mesh = plsc.VectorSubcoreMesh(core_axis_name="c", subcore_axis_name="s")
  gather = pl.kernel(
      _sc_deg_gather_body,
      out_type=(
          jax.ShapeDtypeStruct((NC, NP, HID), _f32),
          jax.ShapeDtypeStruct((NP, EMB), _f32),
      ),
      mesh=mesh,
      scratch_types=[
          pltpu.VMEM((NB_E, EB), jnp.int32),
          pltpu.VMEM((NB_X + 1, XB), jnp.int32),
          pltpu.VMEM((EB, HID), _f32),
          pltpu.VMEM((XB, EMB), _f32),
          pltpu.VMEM((XB, EMB), _f32),
          pltpu.SemaphoreType.DMA,
          pltpu.SemaphoreType.DMA,
          pltpu.VMEM_SHARED((NP, HID), _f32),
      ],
      name="gnn_sc_deg_gather",
  )
  conv = pl.kernel(
      _sc_conv_body,
      out_type=jax.ShapeDtypeStruct((NC, NP, HID), _f32),
      mesh=mesh,
      scratch_types=[
          pltpu.VMEM((CB, EB), jnp.int32),
          pltpu.VMEM((CB, EB), jnp.int32),
          pltpu.VMEM((EB, HID), _f32),
          pltpu.VMEM((EB, HID), _f32),
          pltpu.SemaphoreType.DMA,
          pltpu.SemaphoreType.DMA,
          pltpu.VMEM_SHARED((NP, HID), _f32),
      ],
      name="gnn_sc_conv",
  )
  return gather, conv


_ROWS_B = 1024
_GRID = NP // _ROWS_B

def _tc_prep_body(x_ref, d0_ref, d1_ref, w1_ref, g1_ref, dinv_ref):
  pid = pl.program_id(0)
  deg = d0_ref[:, 0:1] + d1_ref[:, 0:1]
  dinv = lax.rsqrt(deg + 1.0)
  dinvb = jnp.broadcast_to(dinv, (_ROWS_B, HID))
  h = jnp.dot(x_ref[...], w1_ref[...], preferred_element_type=_f32)
  row = pid * _ROWS_B + lax.broadcasted_iota(jnp.int32, (_ROWS_B, HID), 0)
  g1_ref[...] = jnp.where(row < N, h * dinvb, 0.0)
  dinv_ref[...] = dinvb


def _tc_mid_body(a_ref, g1_ref, dinv_ref, b1_ref, w2_ref, g2_ref):
  pid = pl.program_id(0)
  dinv = dinv_ref[...]
  z1 = dinv * (a_ref[0] + a_ref[1] + g1_ref[...]) + b1_ref[...]
  z1 = jnp.maximum(z1, 0.0)
  h2 = jnp.dot(z1, w2_ref[...], preferred_element_type=_f32)
  row = pid * _ROWS_B + lax.broadcasted_iota(jnp.int32, (_ROWS_B, HID), 0)
  g2_ref[...] = jnp.where(row < N, h2 * dinv, 0.0)


def _tc_pool_body(a_ref, g2_ref, dinv_ref, b2_ref, bt_ref, out_ref):
  pid = pl.program_id(0)
  z2 = dinv_ref[...] * (a_ref[0] + a_ref[1] + g2_ref[...]) + b2_ref[...]
  bt = bt_ref[0]
  gid = lax.broadcasted_iota(jnp.int32, (NUM_GRAPHS, _ROWS_B), 0)
  onehot = (gid == jnp.broadcast_to(bt, (NUM_GRAPHS, _ROWS_B))).astype(_f32)
  contrib = jnp.dot(onehot, z2, preferred_element_type=_f32)

  @pl.when(pid == 0)
  def _():
    out_ref[...] = contrib

  @pl.when(pid > 0)
  def _():
    out_ref[...] = out_ref[...] + contrib


def _row_spec(width):
  return pl.BlockSpec((_ROWS_B, width), lambda i: (i, 0))


def _acc_spec():
  return pl.BlockSpec((NC, _ROWS_B, HID), lambda i: (0, i, 0))


def _const_spec(shape):
  nd = len(shape)
  return pl.BlockSpec(shape, lambda i: (0,) * nd)


def _tc_prep(x, d0, d1, w1):
  return pl.pallas_call(
      _tc_prep_body,
      grid=(_GRID,),
      in_specs=[_row_spec(EMB), _row_spec(HID), _row_spec(HID),
                _const_spec((EMB, HID))],
      out_specs=[_row_spec(HID), _row_spec(HID)],
      out_shape=[jax.ShapeDtypeStruct((NP, HID), _f32),
                 jax.ShapeDtypeStruct((NP, HID), _f32)],
  )(x, d0, d1, w1)


def _tc_mid(a, g1, dinv, b1, w2):
  return pl.pallas_call(
      _tc_mid_body,
      grid=(_GRID,),
      in_specs=[_acc_spec(), _row_spec(HID), _row_spec(HID),
                _const_spec((1, HID)), _const_spec((HID, HID))],
      out_specs=_row_spec(HID),
      out_shape=jax.ShapeDtypeStruct((NP, HID), _f32),
  )(a, g1, dinv, b1, w2)


def _tc_pool(a, g2, dinv, b2, batch3):
  return pl.pallas_call(
      _tc_pool_body,
      grid=(_GRID,),
      in_specs=[_acc_spec(), _row_spec(HID), _row_spec(HID),
                _const_spec((1, HID)),
                pl.BlockSpec((1, 1, _ROWS_B), lambda i: (i, 0, 0))],
      out_specs=_const_spec((NUM_GRAPHS, HID)),
      out_shape=jax.ShapeDtypeStruct((NUM_GRAPHS, HID), _f32),
  )(a, g2, dinv, b2, batch3)


@jax.jit
def kernel(x_type, edge_index, batch, emb, W1, b1, W2, b2):
  i32 = jnp.int32
  src = edge_index[0].astype(i32)
  dst = edge_index[1].astype(i32)

  pad = N + (jnp.arange(EP - E, dtype=i32) % (NP - N))
  srcp = jnp.concatenate([src, pad])
  dstp = jnp.concatenate([dst, pad])
  src2 = srcp.reshape(NW * NB_E, EB)
  dst2 = dstp.reshape(NW * NB_E, EB)
  xt0 = jnp.concatenate(
      [x_type.astype(i32), jnp.zeros((NP - N,), i32)]).reshape(NW, NB_X, XB)
  xt = jnp.concatenate([xt0, jnp.zeros((NW, 1, XB), i32)], axis=1)
  batch3 = jnp.concatenate(
      [batch.astype(i32),
       jnp.full((NP - N,), NUM_GRAPHS, i32)]).reshape(_GRID, 1, _ROWS_B)

  zeros128 = jnp.zeros((NP, HID), _f32)
  ones128 = jnp.ones((EB, HID), _f32)

  sc_gather, conv = _make_sc_kernels()

  degp, x = sc_gather(xt, dst2, emb, ones128, zeros128)
  g1, dinv = _tc_prep(x, degp[0], degp[1], W1)

  acc1 = conv(g1, src2, dst2, zeros128)
  g2 = _tc_mid(acc1, g1, dinv, b1.reshape(1, HID), W2)

  acc2 = conv(g2, src2, dst2, zeros128)
  out = _tc_pool(acc2, g2, dinv, b2.reshape(1, HID), batch3)
  return out

# --- scband reference (transcript-rebuilt; emitter-appended) ---
"""Pipeline reference for scband-gnnencoder-with-fallback-62577673503028 (READ-ONLY COPY).

The authoritative reference and input builder live on the scoring server;
editing this copy changes nothing except your own understanding.
"""

import jax, jax.numpy as jnp
import numpy as np

N = 10000
E = 320000
NUM_TYPES = 512
EMB = 128
HID = 128
NUM_GRAPHS = 64


def setup_inputs(seed: int = 0) -> dict:
    key = jax.random.key(seed)
    ks = jax.random.split(key, 8)
    x_type = jax.random.randint(ks[0], (N,), 0, NUM_TYPES)
    edge_index = jax.random.randint(ks[1], (2, E), 0, N)
    batch = jnp.sort(jax.random.randint(ks[2], (N,), 0, NUM_GRAPHS))
    emb = jax.random.normal(ks[3], (NUM_TYPES, EMB), dtype=jnp.float32) * 0.02
    W1 = jax.random.normal(ks[4], (EMB, HID), dtype=jnp.float32) * (1.0 / np.sqrt(EMB))
    b1 = jnp.zeros((HID,), dtype=jnp.float32)
    W2 = jax.random.normal(ks[5], (HID, HID), dtype=jnp.float32) * (1.0 / np.sqrt(HID))
    b2 = jnp.zeros((HID,), dtype=jnp.float32)
    return {"x_type": x_type, "edge_index": edge_index, "batch": batch,
            "emb": emb, "W1": W1, "b1": b1, "W2": W2, "b2": b2}


def _gcn_conv(x, src, dst, W, b, n):
    # PyG GCNConv: linear transform, add self-loops, symmetric normalization, scatter-add
    h = x @ W
    loop = jnp.arange(n, dtype=src.dtype)
    s = jnp.concatenate([src, loop])
    d = jnp.concatenate([dst, loop])
    deg = jax.ops.segment_sum(jnp.ones_like(d, dtype=h.dtype), d, num_segments=n)
    dinv = jnp.where(deg > 0, deg ** -0.5, 0.0)
    norm = dinv[s] * dinv[d]
    msg = h[s] * norm[:, None]
    out = jax.ops.segment_sum(msg, d, num_segments=n)
    return out + b


def reference(x_type, edge_index, batch, emb, W1, b1, W2, b2):
    # edge_index is non-empty, so the GCN branch is taken (fallback branch unused)
    x = emb[x_type]
    src = edge_index[0]
    dst = edge_index[1]
    x = jax.nn.relu(_gcn_conv(x, src, dst, W1, b1, N))
    # dropout is identity in eval / deterministic mode
    x = _gcn_conv(x, src, dst, W2, b2, N)
    out = jax.ops.segment_sum(x, batch, num_segments=NUM_GRAPHS)  # index_add_ pooling
    return out

if __name__ == "__main__":
    import jax
    _d = setup_inputs()
    print(jax.jit(kernel)(*tuple(_d.values())))

</pallas_src>

<mosaic_0001>
#map = affine_map<(d0, d1) -> (0, 0)>
#map1 = affine_map<(d0, d1) -> (0, 0, 0)>
module attributes {stable_mosaic.version = 14 : i64} {
  func.func @gnn_sc_conv(%arg0: i32, %arg1: i32, %arg2: memref<10240x128xf32, #tpu.memory_space<hbm>>, %arg3: memref<2560x128xi32, #tpu.memory_space<hbm>>, %arg4: memref<2560x128xi32, #tpu.memory_space<hbm>>, %arg5: memref<10240x128xf32, #tpu.memory_space<hbm>>, %arg6: memref<2x10240x128xf32, #tpu.memory_space<hbm>>, %arg7: memref<40x128xi32, #tpu.memory_space<vmem>>, %arg8: memref<40x128xi32, #tpu.memory_space<vmem>>, %arg9: memref<128x128xf32, #tpu.memory_space<vmem>>, %arg10: memref<128x128xf32, #tpu.memory_space<vmem>>, %arg11: memref<!tpu.dma_semaphore, #tpu.memory_space<semaphore_mem>>, %arg12: memref<!tpu.dma_semaphore, #tpu.memory_space<semaphore_mem>>, %arg13: memref<10240x128xf32, #tpu.memory_space<vmem_shared>>) attributes {dimension_semantics = [#tpu.dimension_semantics<core_parallel>, #tpu.dimension_semantics<subcore_parallel>], iteration_bounds = array<i64: 2, 16>, scalar_prefetch = 0 : i64, scratch_operands = 7 : i64, tpu.core_type = #tpu.core_type<sc_vector_subcore>, window_params = [{transform_indices = #map}, {transform_indices = #map}, {transform_indices = #map}, {transform_indices = #map}, {transform_indices = #map1}]} {
    %mul3A = arith.constant 2 : i32
    %mul3A_0 = arith.muli %arg1, %mul3A : i32
    %add3A = arith.addi %mul3A_0, %arg0 : i32
    %mul3A_1 = arith.constant 640 : i32
    %mul3A_2 = arith.muli %arg1, %mul3A_1 : i32
    %mul3A_3 = arith.constant 640 : i32
    %mul3A_4 = arith.muli %arg1, %mul3A_3 : i32
    "tpu.region"() ({
      %run_scoped3A = tpu.sem_alloc : memref<!tpu.dma_semaphore, #tpu.memory_space<semaphore_mem>>
      %dma_start3A = arith.constant 0 : i32
      %dma_start3A_14 = tpu.memref_slice %arg13[%mul3A_4, %dma_start3A] : memref<10240x128xf32, #tpu.memory_space<vmem_shared>> -> memref<640x128xf32, #tpu.memory_space<vmem_shared>>
      %dma_start3A_15 = arith.constant 0 : i32
      %dma_start3A_16 = tpu.memref_slice %arg5[%mul3A_2, %dma_start3A_15] : memref<10240x128xf32, #tpu.memory_space<hbm>> -> memref<640x128xf32, #tpu.memory_space<hbm>>
      tpu.enqueue_dma source(%dma_start3A_16 : memref<640x128xf32, #tpu.memory_space<hbm>>) target(%dma_start3A_14 : memref<640x128xf32, #tpu.memory_space<vmem_shared>>) target_semaphore(%run_scoped3A : memref<!tpu.dma_semaphore, #tpu.memory_space<semaphore_mem>>)
      %dma_wait3A = arith.constant 0 : i32
      %dma_wait3A_17 = tpu.memref_slice %arg13[%mul3A_4, %dma_wait3A] : memref<10240x128xf32, #tpu.memory_space<vmem_shared>> -> memref<640x128xf32, #tpu.memory_space<vmem_shared>>
      %dma_wait3A_18 = arith.constant 0 : i32
      %dma_wait3A_19 = tpu.memref_slice %arg5[%mul3A_2, %dma_wait3A_18] : memref<10240x128xf32, #tpu.memory_space<hbm>> -> memref<640x128xf32, #tpu.memory_space<hbm>>
      tpu.wait_dma2 semaphore(%run_scoped3A : memref<!tpu.dma_semaphore, #tpu.memory_space<semaphore_mem>>) src(%dma_wait3A_19 : memref<640x128xf32, #tpu.memory_space<hbm>>) dst(%dma_wait3A_17 : memref<640x128xf32, #tpu.memory_space<vmem_shared>>)
      tpu.yield
    }) : () -> ()
    %barrier3A = arith.constant 0 : index
    tpu.barrier barrier_id(%barrier3A)
    %scan3A = arith.constant 0 : i32
    %scan3A_5 = arith.constant 2 : i32
    %scan3A_6 = arith.addi %scan3A, %scan3A_5 : i32
    %scan3A_7 = arith.constant 1 : i32
    scf.for %scan3A_14 = %scan3A to %scan3A_6 step %scan3A_7  : i32 {
      %mul3A_15 = arith.constant 1 : i32
      %mul3A_16 = arith.muli %scan3A_14, %mul3A_15 : i32
      %add3A_17 = arith.constant 0 : i32
      %add3A_18 = arith.addi %add3A_17, %mul3A_16 : i32
      %mul3A_19 = arith.constant 80 : i32
      %mul3A_20 = arith.muli %add3A, %mul3A_19 : i32
      %mul3A_21 = arith.constant 40 : i32
      %mul3A_22 = arith.muli %add3A_18, %mul3A_21 : i32
      %add3A_23 = arith.addi %mul3A_20, %mul3A_22 : i32
      "tpu.region"() ({
        %run_scoped3A = tpu.sem_alloc : memref<!tpu.dma_semaphore, #tpu.memory_space<semaphore_mem>>
        %dma_start3A_35 = arith.constant 0 : i32
        %dma_start3A_36 = tpu.memref_slice %arg3[%add3A_23, %dma_start3A_35] : memref<2560x128xi32, #tpu.memory_space<hbm>> -> memref<40x128xi32, #tpu.memory_space<hbm>>
        %dma_start3A_37 = arith.constant 0 : i32
        %dma_start3A_38 = tpu.memref_slice %arg3[%add3A_23, %dma_start3A_37] : memref<2560x128xi32, #tpu.memory_space<hbm>> -> memref<40x128xi32, #tpu.memory_space<hbm>>
        tpu.enqueue_dma source(%dma_start3A_38 : memref<40x128xi32, #tpu.memory_space<hbm>>) target(%arg7 : memref<40x128xi32, #tpu.memory_space<vmem>>) target_semaphore(%run_scoped3A : memref<!tpu.dma_semaphore, #tpu.memory_space<semaphore_mem>>)
        %dma_wait3A = arith.constant 0 : i32
        %dma_wait3A_39 = tpu.memref_slice %arg3[%add3A_23, %dma_wait3A] : memref<2560x128xi32, #tpu.memory_space<hbm>> -> memref<40x128xi32, #tpu.memory_space<hbm>>
        %dma_wait3A_40 = arith.constant 0 : i32
        %dma_wait3A_41 = tpu.memref_slice %arg3[%add3A_23, %dma_wait3A_40] : memref<2560x128xi32, #tpu.memory_space<hbm>> -> memref<40x128xi32, #tpu.memory_space<hbm>>
        tpu.wait_dma2 semaphore(%run_scoped3A : memref<!tpu.dma_semaphore, #tpu.memory_space<semaphore_mem>>) src(%dma_wait3A_41 : memref<40x128xi32, #tpu.memory_space<hbm>>) dst(%arg7 : memref<40x128xi32, #tpu.memory_space<vmem>>)
        tpu.yield
      }) : () -> ()
      "tpu.region"() ({
        %run_scoped3A = tpu.sem_alloc : memref<!tpu.dma_semaphore, #tpu.memory_space<semaphore_mem>>
        %dma_start3A_35 = arith.constant 0 : i32
        %dma_start3A_36 = tpu.memref_slice %arg4[%add3A_23, %dma_start3A_35] : memref<2560x128xi32, #tpu.memory_space<hbm>> -> memref<40x128xi32, #tpu.memory_space<hbm>>
        %dma_start3A_37 = arith.constant 0 : i32
        %dma_start3A_38 = tpu.memref_slice %arg4[%add3A_23, %dma_start3A_37] : memref<2560x128xi32, #tpu.memory_space<hbm>> -> memref<40x128xi32, #tpu.memory_space<hbm>>
        tpu.enqueue_dma source(%dma_start3A_38 : memref<40x128xi32, #tpu.memory_space<hbm>>) target(%arg8 : memref<40x128xi32, #tpu.memory_space<vmem>>) target_semaphore(%run_scoped3A : memref<!tpu.dma_semaphore, #tpu.memory_space<semaphore_mem>>)
        %dma_wait3A = arith.constant 0 : i32
        %dma_wait3A_39 = tpu.memref_slice %arg4[%add3A_23, %dma_wait3A] : memref<2560x128xi32, #tpu.memory_space<hbm>> -> memref<40x128xi32, #tpu.memory_space<hbm>>
        %dma_wait3A_40 = arith.constant 0 : i32
        %dma_wait3A_41 = tpu.memref_slice %arg4[%add3A_23, %dma_wait3A_40] : memref<2560x128xi32, #tpu.memory_space<hbm>> -> memref<40x128xi32, #tpu.memory_space<hbm>>
        tpu.wait_dma2 semaphore(%run_scoped3A : memref<!tpu.dma_semaphore, #tpu.memory_space<semaphore_mem>>) src(%dma_wait3A_41 : memref<40x128xi32, #tpu.memory_space<hbm>>) dst(%arg8 : memref<40x128xi32, #tpu.memory_space<vmem>>)
        tpu.yield
      }) : () -> ()
      %dma_start3A = arith.constant 0 : i32
      %dma_start3A_24 = arith.constant 0 : i32
      %dma_start3A_25 = tpu.memref_slice %arg7[%dma_start3A, %dma_start3A_24] : memref<40x128xi32, #tpu.memory_space<vmem>> -> memref<1x128xi32, #tpu.memory_space<vmem>>
      %dma_start3A_26 = tpu.memref_squeeze %dma_start3A_25 : memref<1x128xi32, #tpu.memory_space<vmem>> -> memref<128xi32, #tpu.memory_space<vmem>>
      %dma_start3A_27 = arith.constant 0 : i32
      %dma_start3A_28 = arith.constant 0 : i32
      %dma_start3A_29 = tpu.memref_slice %arg2[%dma_start3A_27, %dma_start3A_28] : memref<10240x128xf32, #tpu.memory_space<hbm>> -> memref<10240x128xf32, #tpu.memory_space<hbm>>
      tpu.enqueue_indirect_dma source(%dma_start3A_29 : memref<10240x128xf32, #tpu.memory_space<hbm>>) target(%arg9 : memref<128x128xf32, #tpu.memory_space<vmem>>) offsets(%dma_start3A_26 : memref<128xi32, #tpu.memory_space<vmem>>) semaphore(%arg11 : memref<!tpu.dma_semaphore, #tpu.memory_space<semaphore_mem>>)
      %scan3A_30 = arith.constant 0 : i32
      %scan3A_31 = arith.constant 20 : i32
      %scan3A_32 = arith.addi %scan3A_30, %scan3A_31 : i32
      %scan3A_33 = arith.constant 1 : i32
      scf.for %scan3A_35 = %scan3A_30 to %scan3A_32 step %scan3A_33  : i32 {
        %mul3A_36 = arith.constant 2 : i32
        %mul3A_37 = arith.muli %scan3A_35, %mul3A_36 : i32
        %add3A_38 = arith.constant 0 : i32
        %add3A_39 = arith.addi %add3A_38, %mul3A_37 : i32
        %add3A_40 = arith.constant 1 : i32
        %add3A_41 = arith.addi %add3A_39, %add3A_40 : i32
        %dma_start3A_42 = arith.constant 0 : i32
        %dma_start3A_43 = tpu.memref_slice %arg7[%add3A_41, %dma_start3A_42] : memref<40x128xi32, #tpu.memory_space<vmem>> -> memref<1x128xi32, #tpu.memory_space<vmem>>
        %dma_start3A_44 = tpu.memref_squeeze %dma_start3A_43 : memref<1x128xi32, #tpu.memory_space<vmem>> -> memref<128xi32, #tpu.memory_space<vmem>>
        %dma_start3A_45 = arith.constant 0 : i32
        %dma_start3A_46 = arith.constant 0 : i32
        %dma_start3A_47 = tpu.memref_slice %arg2[%dma_start3A_45, %dma_start3A_46] : memref<10240x128xf32, #tpu.memory_space<hbm>> -> memref<10240x128xf32, #tpu.memory_space<hbm>>
        tpu.enqueue_indirect_dma source(%dma_start3A_47 : memref<10240x128xf32, #tpu.memory_space<hbm>>) target(%arg10 : memref<128x128xf32, #tpu.memory_space<vmem>>) offsets(%dma_start3A_44 : memref<128xi32, #tpu.memory_space<vmem>>) semaphore(%arg12 : memref<!tpu.dma_semaphore, #tpu.memory_space<semaphore_mem>>)
        %dma_wait3A = arith.constant 0 : i32
        %dma_wait3A_48 = tpu.memref_slice %arg7[%add3A_39, %dma_wait3A] : memref<40x128xi32, #tpu.memory_space<vmem>> -> memref<1x128xi32, #tpu.memory_space<vmem>>
        %dma_wait3A_49 = tpu.memref_squeeze %dma_wait3A_48 : memref<1x128xi32, #tpu.memory_space<vmem>> -> memref<128xi32, #tpu.memory_space<vmem>>
        %dma_wait3A_50 = arith.constant 0 : i32
        %dma_wait3A_51 = arith.constant 0 : i32
        %dma_wait3A_52 = tpu.memref_slice %arg2[%dma_wait3A_50, %dma_wait3A_51] : memref<10240x128xf32, #tpu.memory_space<hbm>> -> memref<10240x128xf32, #tpu.memory_space<hbm>>
        tpu.wait_indirect_dma semaphore(%arg11 : memref<!tpu.dma_semaphore, #tpu.memory_space<semaphore_mem>>) src(%dma_wait3A_52 : memref<10240x128xf32, #tpu.memory_space<hbm>>) dst(%arg9 : memref<128x128xf32, #tpu.memory_space<vmem>>)
        "tpu.region"() ({
          %run_scoped3A = tpu.sem_alloc : memref<!tpu.dma_semaphore, #tpu.memory_space<semaphore_mem>>
          %dma_start3A_67 = arith.constant 0 : i32
          %dma_start3A_68 = tpu.memref_slice %arg8[%add3A_39, %dma_start3A_67] : memref<40x128xi32, #tpu.memory_space<vmem>> -> memref<1x128xi32, #tpu.memory_space<vmem>>
          %dma_start3A_69 = tpu.memref_squeeze %dma_start3A_68 : memref<1x128xi32, #tpu.memory_space<vmem>> -> memref<128xi32, #tpu.memory_space<vmem>>
          %dma_start3A_70 = arith.constant 0 : i32
          %dma_start3A_71 = arith.constant 0 : i32
          %dma_start3A_72 = tpu.memref_slice %arg13[%dma_start3A_70, %dma_start3A_71] : memref<10240x128xf32, #tpu.memory_space<vmem_shared>> -> memref<10240x128xf32, #tpu.memory_space<vmem_shared>>
          tpu.enqueue_indirect_dma source(%arg9 : memref<128x128xf32, #tpu.memory_space<vmem>>) target(%dma_start3A_72 : memref<10240x128xf32, #tpu.memory_space<vmem_shared>>) offsets(%dma_start3A_69 : memref<128xi32, #tpu.memory_space<vmem>>) semaphore(%run_scoped3A : memref<!tpu.dma_semaphore, #tpu.memory_space<semaphore_mem>>) {add = true}
          %dma_wait3A_73 = arith.constant 0 : i32
          %dma_wait3A_74 = tpu.memref_slice %arg8[%add3A_39, %dma_wait3A_73] : memref<40x128xi32, #tpu.memory_space<vmem>> -> memref<1x128xi32, #tpu.memory_space<vmem>>
          %dma_wait3A_75 = tpu.memref_squeeze %dma_wait3A_74 : memref<1x128xi32, #tpu.memory_space<vmem>> -> memref<128xi32, #tpu.memory_space<vmem>>
          %dma_wait3A_76 = arith.constant 0 : i32
          %dma_wait3A_77 = arith.constant 0 : i32
          %dma_wait3A_78 = tpu.memref_slice %arg13[%dma_wait3A_76, %dma_wait3A_77] : memref<10240x128xf32, #tpu.memory_space<vmem_shared>> -> memref<10240x128xf32, #tpu.memory_space<vmem_shared>>
          tpu.wait_indirect_dma semaphore(%run_scoped3A : memref<!tpu.dma_semaphore, #tpu.memory_space<semaphore_mem>>) src(%arg9 : memref<128x128xf32, #tpu.memory_space<vmem>>) dst(%dma_wait3A_78 : memref<10240x128xf32, #tpu.memory_space<vmem_shared>>)
          tpu.yield
        }) : () -> ()
        %add3A_53 = arith.constant 2 : i32
        %add3A_54 = arith.addi %add3A_39, %add3A_53 : i32
        %lt3A = arith.constant 40 : i32
        %lt3A_55 = arith.cmpi slt, %add3A_54, %lt3A : i32
        %convert_element_type3A = arith.extui %lt3A_55 : i1 to i32
        %cond3A = arith.constant 0 : i32
        %cond3A_56 = arith.cmpi ne, %convert_element_type3A, %cond3A : i32
        scf.if %cond3A_56 {
          %add3A_67 = arith.constant 2 : i32
          %add3A_68 = arith.addi %add3A_39, %add3A_67 : i32
          %dma_start3A_69 = arith.constant 0 : i32
          %dma_start3A_70 = tpu.memref_slice %arg7[%add3A_68, %dma_start3A_69] : memref<40x128xi32, #tpu.memory_space<vmem>> -> memref<1x128xi32, #tpu.memory_space<vmem>>
          %dma_start3A_71 = tpu.memref_squeeze %dma_start3A_70 : memref<1x128xi32, #tpu.memory_space<vmem>> -> memref<128xi32, #tpu.memory_space<vmem>>
          %dma_start3A_72 = arith.constant 0 : i32
          %dma_start3A_73 = arith.constant 0 : i32
          %dma_start3A_74 = tpu.memref_slice %arg2[%dma_start3A_72, %dma_start3A_73] : memref<10240x128xf32, #tpu.memory_space<hbm>> -> memref<10240x128xf32, #tpu.memory_space<hbm>>
          tpu.enqueue_indirect_dma source(%dma_start3A_74 : memref<10240x128xf32, #tpu.memory_space<hbm>>) target(%arg9 : memref<128x128xf32, #tpu.memory_space<vmem>>) offsets(%dma_start3A_71 : memref<128xi32, #tpu.memory_space<vmem>>) semaphore(%arg11 : memref<!tpu.dma_semaphore, #tpu.memory_space<semaphore_mem>>)
        } else {
        }
        %add3A_57 = arith.constant 1 : i32
        %add3A_58 = arith.addi %add3A_39, %add3A_57 : i32
        %dma_wait3A_59 = arith.constant 0 : i32
        %dma_wait3A_60 = tpu.memref_slice %arg7[%add3A_58, %dma_wait3A_59] : memref<40x128xi32, #tpu.memory_space<vmem>> -> memref<1x128xi32, #tpu.memory_space<vmem>>
        %dma_wait3A_61 = tpu.memref_squeeze %dma_wait3A_60 : memref<1x128xi32, #tpu.memory_space<vmem>> -> memref<128xi32, #tpu.memory_space<vmem>>
        %dma_wait3A_62 = arith.constant 0 : i32
        %dma_wait3A_63 = arith.constant 0 : i32
        %dma_wait3A_64 = tpu.memref_slice %arg2[%dma_wait3A_62, %dma_wait3A_63] : memref<10240x128xf32, #tpu.memory_space<hbm>> -> memref<10240x128xf32, #tpu.memory_space<hbm>>
        tpu.wait_indirect_dma semaphore(%arg12 : memref<!tpu.dma_semaphore, #tpu.memory_space<semaphore_mem>>) src(%dma_wait3A_64 : memref<10240x128xf32, #tpu.memory_space<hbm>>) dst(%arg10 : memref<128x128xf32, #tpu.memory_space<vmem>>)
        %add3A_65 = arith.constant 1 : i32
        %add3A_66 = arith.addi %add3A_39, %add3A_65 : i32
        "tpu.region"() ({
          %run_scoped3A = tpu.sem_alloc : memref<!tpu.dma_semaphore, #tpu.memory_space<semaphore_mem>>
          %dma_start3A_67 = arith.constant 0 : i32
          %dma_start3A_68 = tpu.memref_slice %arg8[%add3A_66, %dma_start3A_67] : memref<40x128xi32, #tpu.memory_space<vmem>> -> memref<1x128xi32, #tpu.memory_space<vmem>>
          %dma_start3A_69 = tpu.memref_squeeze %dma_start3A_68 : memref<1x128xi32, #tpu.memory_space<vmem>> -> memref<128xi32, #tpu.memory_space<vmem>>
          %dma_start3A_70 = arith.constant 0 : i32
          %dma_start3A_71 = arith.constant 0 : i32
          %dma_start3A_72 = tpu.memref_slice %arg13[%dma_start3A_70, %dma_start3A_71] : memref<10240x128xf32, #tpu.memory_space<vmem_shared>> -> memref<10240x128xf32, #tpu.memory_space<vmem_shared>>
          tpu.enqueue_indirect_dma source(%arg10 : memref<128x128xf32, #tpu.memory_space<vmem>>) target(%dma_start3A_72 : memref<10240x128xf32, #tpu.memory_space<vmem_shared>>) offsets(%dma_start3A_69 : memref<128xi32, #tpu.memory_space<vmem>>) semaphore(%run_scoped3A : memref<!tpu.dma_semaphore, #tpu.memory_space<semaphore_mem>>) {add = true}
          %dma_wait3A_73 = arith.constant 0 : i32
          %dma_wait3A_74 = tpu.memref_slice %arg8[%add3A_66, %dma_wait3A_73] : memref<40x128xi32, #tpu.memory_space<vmem>> -> memref<1x128xi32, #tpu.memory_space<vmem>>
          %dma_wait3A_75 = tpu.memref_squeeze %dma_wait3A_74 : memref<1x128xi32, #tpu.memory_space<vmem>> -> memref<128xi32, #tpu.memory_space<vmem>>
          %dma_wait3A_76 = arith.constant 0 : i32
          %dma_wait3A_77 = arith.constant 0 : i32
          %dma_wait3A_78 = tpu.memref_slice %arg13[%dma_wait3A_76, %dma_wait3A_77] : memref<10240x128xf32, #tpu.memory_space<vmem_shared>> -> memref<10240x128xf32, #tpu.memory_space<vmem_shared>>
          tpu.wait_indirect_dma semaphore(%run_scoped3A : memref<!tpu.dma_semaphore, #tpu.memory_space<semaphore_mem>>) src(%arg10 : memref<128x128xf32, #tpu.memory_space<vmem>>) dst(%dma_wait3A_78 : memref<10240x128xf32, #tpu.memory_space<vmem_shared>>)
          tpu.yield
        }) : () -> ()
      }
      %scan3A_34 = arith.constant 20 : i32
    }
    %scan3A_8 = arith.constant 2 : i32
    %barrier3A_9 = arith.constant 0 : index
    tpu.barrier barrier_id(%barrier3A_9)
    %mul3A_10 = arith.constant 640 : i32
    %mul3A_11 = arith.muli %arg1, %mul3A_10 : i32
    %mul3A_12 = arith.constant 640 : i32
    %mul3A_13 = arith.muli %arg1, %mul3A_12 : i32
    "tpu.region"() ({
      %run_scoped3A = tpu.sem_alloc : memref<!tpu.dma_semaphore, #tpu.memory_space<semaphore_mem>>
      %dma_start3A = arith.constant 0 : i32
      %dma_start3A_14 = tpu.memref_slice %arg6[%arg0, %mul3A_13, %dma_start3A] : memref<2x10240x128xf32, #tpu.memory_space<hbm>> -> memref<1x640x128xf32, #tpu.memory_space<hbm>>
      %dma_start3A_15 = tpu.memref_squeeze %dma_start3A_14 : memref<1x640x128xf32, #tpu.memory_space<hbm>> -> memref<640x128xf32, #tpu.memory_space<hbm>>
      %dma_start3A_16 = arith.constant 0 : i32
      %dma_start3A_17 = tpu.memref_slice %arg13[%mul3A_11, %dma_start3A_16] : memref<10240x128xf32, #tpu.memory_space<vmem_shared>> -> memref<640x128xf32, #tpu.memory_space<vmem_shared>>
      tpu.enqueue_dma source(%dma_start3A_17 : memref<640x128xf32, #tpu.memory_space<vmem_shared>>) target(%dma_start3A_15 : memref<640x128xf32, #tpu.memory_space<hbm>>) target_semaphore(%run_scoped3A : memref<!tpu.dma_semaphore, #tpu.memory_space<semaphore_mem>>)
      %dma_wait3A = arith.constant 0 : i32
      %dma_wait3A_18 = tpu.memref_slice %arg6[%arg0, %mul3A_13, %dma_wait3A] : memref<2x10240x128xf32, #tpu.memory_space<hbm>> -> memref<1x640x128xf32, #tpu.memory_space<hbm>>
      %dma_wait3A_19 = tpu.memref_squeeze %dma_wait3A_18 : memref<1x640x128xf32, #tpu.memory_space<hbm>> -> memref<640x128xf32, #tpu.memory_space<hbm>>
      %dma_wait3A_20 = arith.constant 0 : i32
      %dma_wait3A_21 = tpu.memref_slice %arg13[%mul3A_11, %dma_wait3A_20] : memref<10240x128xf32, #tpu.memory_space<vmem_shared>> -> memref<640x128xf32, #tpu.memory_space<vmem_shared>>
      tpu.wait_dma2 semaphore(%run_scoped3A : memref<!tpu.dma_semaphore, #tpu.memory_space<semaphore_mem>>) src(%dma_wait3A_21 : memref<640x128xf32, #tpu.memory_space<vmem_shared>>) dst(%dma_wait3A_19 : memref<640x128xf32, #tpu.memory_space<hbm>>)
      tpu.yield
    }) : () -> ()
    return
  }
}

#map = affine_map<(d0, d1) -> (0, 0, 0)>
#map1 = affine_map<(d0, d1) -> (0, 0)>
module attributes {stable_mosaic.version = 14 : i64} {
  func.func @gnn_sc_deg_gather(%arg0: i32, %arg1: i32, %arg2: memref<32x9x40xi32, #tpu.memory_space<hbm>>, %arg3: memref<2560x128xi32, #tpu.memory_space<hbm>>, %arg4: memref<512x128xf32, #tpu.memory_space<hbm>>, %arg5: memref<128x128xf32, #tpu.memory_space<hbm>>, %arg6: memref<10240x128xf32, #tpu.memory_space<hbm>>, %arg7: memref<2x10240x128xf32, #tpu.memory_space<hbm>>, %arg8: memref<10240x128xf32, #tpu.memory_space<hbm>>, %arg9: memref<80x128xi32, #tpu.memory_space<vmem>>, %arg10: memref<9x40xi32, #tpu.memory_space<vmem>>, %arg11: memref<128x128xf32, #tpu.memory_space<vmem>>, %arg12: memref<40x128xf32, #tpu.memory_space<vmem>>, %arg13: memref<40x128xf32, #tpu.memory_space<vmem>>, %arg14: memref<!tpu.dma_semaphore, #tpu.memory_space<semaphore_mem>>, %arg15: memref<!tpu.dma_semaphore, #tpu.memory_space<semaphore_mem>>, %arg16: memref<10240x128xf32, #tpu.memory_space<vmem_shared>>) attributes {dimension_semantics = [#tpu.dimension_semantics<core_parallel>, #tpu.dimension_semantics<subcore_parallel>], iteration_bounds = array<i64: 2, 16>, scalar_prefetch = 0 : i64, scratch_operands = 8 : i64, tpu.core_type = #tpu.core_type<sc_vector_subcore>, window_params = [{transform_indices = #map}, {transform_indices = #map1}, {transform_indices = #map1}, {transform_indices = #map1}, {transform_indices = #map1}, {transform_indices = #map}, {transform_indices = #map1}]} {
    %mul3A = arith.constant 2 : i32
    %mul3A_0 = arith.muli %arg1, %mul3A : i32
    %add3A = arith.addi %mul3A_0, %arg0 : i32
    %mul3A_1 = arith.constant 80 : i32
    %mul3A_2 = arith.muli %add3A, %mul3A_1 : i32
    "tpu.region"() ({
      %run_scoped3A = tpu.sem_alloc : memref<!tpu.dma_semaphore, #tpu.memory_space<semaphore_mem>>
      %dma_start3A_28 = arith.constant 0 : i32
      %dma_start3A_29 = tpu.memref_slice %arg3[%mul3A_2, %dma_start3A_28] : memref<2560x128xi32, #tpu.memory_space<hbm>> -> memref<80x128xi32, #tpu.memory_space<hbm>>
      %dma_start3A_30 = arith.constant 0 : i32
      %dma_start3A_31 = tpu.memref_slice %arg3[%mul3A_2, %dma_start3A_30] : memref<2560x128xi32, #tpu.memory_space<hbm>> -> memref<80x128xi32, #tpu.memory_space<hbm>>
      tpu.enqueue_dma source(%dma_start3A_31 : memref<80x128xi32, #tpu.memory_space<hbm>>) target(%arg9 : memref<80x128xi32, #tpu.memory_space<vmem>>) target_semaphore(%run_scoped3A : memref<!tpu.dma_semaphore, #tpu.memory_space<semaphore_mem>>)
      %dma_wait3A_32 = arith.constant 0 : i32
      %dma_wait3A_33 = tpu.memref_slice %arg3[%mul3A_2, %dma_wait3A_32] : memref<2560x128xi32, #tpu.memory_space<hbm>> -> memref<80x128xi32, #tpu.memory_space<hbm>>
      %dma_wait3A_34 = arith.constant 0 : i32
      %dma_wait3A_35 = tpu.memref_slice %arg3[%mul3A_2, %dma_wait3A_34] : memref<2560x128xi32, #tpu.memory_space<hbm>> -> memref<80x128xi32, #tpu.memory_space<hbm>>
      tpu.wait_dma2 semaphore(%run_scoped3A : memref<!tpu.dma_semaphore, #tpu.memory_space<semaphore_mem>>) src(%dma_wait3A_35 : memref<80x128xi32, #tpu.memory_space<hbm>>) dst(%arg9 : memref<80x128xi32, #tpu.memory_space<vmem>>)
      tpu.yield
    }) : () -> ()
    "tpu.region"() ({
      %run_scoped3A = tpu.sem_alloc : memref<!tpu.dma_semaphore, #tpu.memory_space<semaphore_mem>>
      %dma_start3A_28 = arith.constant 0 : i32
      %dma_start3A_29 = arith.constant 0 : i32
      %dma_start3A_30 = tpu.memref_slice %arg2[%add3A, %dma_start3A_28, %dma_start3A_29] : memref<32x9x40xi32, #tpu.memory_space<hbm>> -> memref<1x9x40xi32, #tpu.memory_space<hbm>>
      %dma_start3A_31 = tpu.memref_squeeze %dma_start3A_30 : memref<1x9x40xi32, #tpu.memory_space<hbm>> -> memref<9x40xi32, #tpu.memory_space<hbm>>
      %dma_start3A_32 = arith.constant 0 : i32
      %dma_start3A_33 = arith.constant 0 : i32
      %dma_start3A_34 = tpu.memref_slice %arg2[%add3A, %dma_start3A_32, %dma_start3A_33] : memref<32x9x40xi32, #tpu.memory_space<hbm>> -> memref<1x9x40xi32, #tpu.memory_space<hbm>>
      %dma_start3A_35 = tpu.memref_squeeze %dma_start3A_34 : memref<1x9x40xi32, #tpu.memory_space<hbm>> -> memref<9x40xi32, #tpu.memory_space<hbm>>
      tpu.enqueue_dma source(%dma_start3A_35 : memref<9x40xi32, #tpu.memory_space<hbm>>) target(%arg10 : memref<9x40xi32, #tpu.memory_space<vmem>>) target_semaphore(%run_scoped3A : memref<!tpu.dma_semaphore, #tpu.memory_space<semaphore_mem>>)
      %dma_wait3A_36 = arith.constant 0 : i32
      %dma_wait3A_37 = arith.constant 0 : i32
      %dma_wait3A_38 = tpu.memref_slice %arg2[%add3A, %dma_wait3A_36, %dma_wait3A_37] : memref<32x9x40xi32, #tpu.memory_space<hbm>> -> memref<1x9x40xi32, #tpu.memory_space<hbm>>
      %dma_wait3A_39 = tpu.memref_squeeze %dma_wait3A_38 : memref<1x9x40xi32, #tpu.memory_space<hbm>> -> memref<9x40xi32, #tpu.memory_space<hbm>>
      %dma_wait3A_40 = arith.constant 0 : i32
      %dma_wait3A_41 = arith.constant 0 : i32
      %dma_wait3A_42 = tpu.memref_slice %arg2[%add3A, %dma_wait3A_40, %dma_wait3A_41] : memref<32x9x40xi32, #tpu.memory_space<hbm>> -> memref<1x9x40xi32, #tpu.memory_space<hbm>>
      %dma_wait3A_43 = tpu.memref_squeeze %dma_wait3A_42 : memref<1x9x40xi32, #tpu.memory_space<hbm>> -> memref<9x40xi32, #tpu.memory_space<hbm>>
      tpu.wait_dma2 semaphore(%run_scoped3A : memref<!tpu.dma_semaphore, #tpu.memory_space<semaphore_mem>>) src(%dma_wait3A_43 : memref<9x40xi32, #tpu.memory_space<hbm>>) dst(%arg10 : memref<9x40xi32, #tpu.memory_space<vmem>>)
      tpu.yield
    }) : () -> ()
    "tpu.region"() ({
      %run_scoped3A = tpu.sem_alloc : memref<!tpu.dma_semaphore, #tpu.memory_space<semaphore_mem>>
      tpu.enqueue_dma source(%arg5 : memref<128x128xf32, #tpu.memory_space<hbm>>) target(%arg11 : memref<128x128xf32, #tpu.memory_space<vmem>>) target_semaphore(%run_scoped3A : memref<!tpu.dma_semaphore, #tpu.memory_space<semaphore_mem>>)
      tpu.wait_dma2 semaphore(%run_scoped3A : memref<!tpu.dma_semaphore, #tpu.memory_space<semaphore_mem>>) src(%arg5 : memref<128x128xf32, #tpu.memory_space<hbm>>) dst(%arg11 : memref<128x128xf32, #tpu.memory_space<vmem>>)
      tpu.yield
    }) : () -> ()
    %mul3A_3 = arith.constant 640 : i32
    %mul3A_4 = arith.muli %arg1, %mul3A_3 : i32
    %mul3A_5 = arith.constant 640 : i32
    %mul3A_6 = arith.muli %arg1, %mul3A_5 : i32
    "tpu.region"() ({
      %run_scoped3A = tpu.sem_alloc : memref<!tpu.dma_semaphore, #tpu.memory_space<semaphore_mem>>
      %dma_start3A_28 = arith.constant 0 : i32
      %dma_start3A_29 = tpu.memref_slice %arg16[%mul3A_6, %dma_start3A_28] : memref<10240x128xf32, #tpu.memory_space<vmem_shared>> -> memref<640x128xf32, #tpu.memory_space<vmem_shared>>
      %dma_start3A_30 = arith.constant 0 : i32
      %dma_start3A_31 = tpu.memref_slice %arg6[%mul3A_4, %dma_start3A_30] : memref<10240x128xf32, #tpu.memory_space<hbm>> -> memref<640x128xf32, #tpu.memory_space<hbm>>
      tpu.enqueue_dma source(%dma_start3A_31 : memref<640x128xf32, #tpu.memory_space<hbm>>) target(%dma_start3A_29 : memref<640x128xf32, #tpu.memory_space<vmem_shared>>) target_semaphore(%run_scoped3A : memref<!tpu.dma_semaphore, #tpu.memory_space<semaphore_mem>>)
      %dma_wait3A_32 = arith.constant 0 : i32
      %dma_wait3A_33 = tpu.memref_slice %arg16[%mul3A_6, %dma_wait3A_32] : memref<10240x128xf32, #tpu.memory_space<vmem_shared>> -> memref<640x128xf32, #tpu.memory_space<vmem_shared>>
      %dma_wait3A_34 = arith.constant 0 : i32
      %dma_wait3A_35 = tpu.memref_slice %arg6[%mul3A_4, %dma_wait3A_34] : memref<10240x128xf32, #tpu.memory_space<hbm>> -> memref<640x128xf32, #tpu.memory_space<hbm>>
      tpu.wait_dma2 semaphore(%run_scoped3A : memref<!tpu.dma_semaphore, #tpu.memory_space<semaphore_mem>>) src(%dma_wait3A_35 : memref<640x128xf32, #tpu.memory_space<hbm>>) dst(%dma_wait3A_33 : memref<640x128xf32, #tpu.memory_space<vmem_shared>>)
      tpu.yield
    }) : () -> ()
    %barrier3A = arith.constant 0 : index
    tpu.barrier barrier_id(%barrier3A)
    %dma_start3A = arith.constant 0 : i32
    %dma_start3A_7 = arith.constant 0 : i32
    %dma_start3A_8 = tpu.memref_slice %arg10[%dma_start3A, %dma_start3A_7] : memref<9x40xi32, #tpu.memory_space<vmem>> -> memref<1x40xi32, #tpu.memory_space<vmem>>
    %dma_start3A_9 = tpu.memref_squeeze %dma_start3A_8 : memref<1x40xi32, #tpu.memory_space<vmem>> -> memref<40xi32, #tpu.memory_space<vmem>>
    %dma_start3A_10 = arith.constant 0 : i32
    %dma_start3A_11 = arith.constant 0 : i32
    %dma_start3A_12 = tpu.memref_slice %arg4[%dma_start3A_10, %dma_start3A_11] : memref<512x128xf32, #tpu.memory_space<hbm>> -> memref<512x128xf32, #tpu.memory_space<hbm>>
    tpu.enqueue_indirect_dma source(%dma_start3A_12 : memref<512x128xf32, #tpu.memory_space<hbm>>) target(%arg12 : memref<40x128xf32, #tpu.memory_space<vmem>>) offsets(%dma_start3A_9 : memref<40xi32, #tpu.memory_space<vmem>>) semaphore(%arg14 : memref<!tpu.dma_semaphore, #tpu.memory_space<semaphore_mem>>)
    %scan3A = arith.constant 0 : i32
    %scan3A_13 = arith.constant 4 : i32
    %scan3A_14 = arith.addi %scan3A, %scan3A_13 : i32
    %scan3A_15 = arith.constant 1 : i32
    scf.for %scan3A_28 = %scan3A to %scan3A_14 step %scan3A_15  : i32 {
      %mul3A_29 = arith.constant 2 : i32
      %mul3A_30 = arith.muli %scan3A_28, %mul3A_29 : i32
      %add3A_31 = arith.constant 0 : i32
      %add3A_32 = arith.addi %add3A_31, %mul3A_30 : i32
      %dma_wait3A_33 = arith.constant 0 : i32
      %dma_wait3A_34 = tpu.memref_slice %arg10[%add3A_32, %dma_wait3A_33] : memref<9x40xi32, #tpu.memory_space<vmem>> -> memref<1x40xi32, #tpu.memory_space<vmem>>
      %dma_wait3A_35 = tpu.memref_squeeze %dma_wait3A_34 : memref<1x40xi32, #tpu.memory_space<vmem>> -> memref<40xi32, #tpu.memory_space<vmem>>
      %dma_wait3A_36 = arith.constant 0 : i32
      %dma_wait3A_37 = arith.constant 0 : i32
      %dma_wait3A_38 = tpu.memref_slice %arg4[%dma_wait3A_36, %dma_wait3A_37] : memref<512x128xf32, #tpu.memory_space<hbm>> -> memref<512x128xf32, #tpu.memory_space<hbm>>
      tpu.wait_indirect_dma semaphore(%arg14 : memref<!tpu.dma_semaphore, #tpu.memory_space<semaphore_mem>>) src(%dma_wait3A_38 : memref<512x128xf32, #tpu.memory_space<hbm>>) dst(%arg12 : memref<40x128xf32, #tpu.memory_space<vmem>>)
      %add3A_39 = arith.constant 1 : i32
      %add3A_40 = arith.addi %add3A_32, %add3A_39 : i32
      %dma_start3A_41 = arith.constant 0 : i32
      %dma_start3A_42 = tpu.memref_slice %arg10[%add3A_40, %dma_start3A_41] : memref<9x40xi32, #tpu.memory_space<vmem>> -> memref<1x40xi32, #tpu.memory_space<vmem>>
      %dma_start3A_43 = tpu.memref_squeeze %dma_start3A_42 : memref<1x40xi32, #tpu.memory_space<vmem>> -> memref<40xi32, #tpu.memory_space<vmem>>
      %dma_start3A_44 = arith.constant 0 : i32
      %dma_start3A_45 = arith.constant 0 : i32
      %dma_start3A_46 = tpu.memref_slice %arg4[%dma_start3A_44, %dma_start3A_45] : memref<512x128xf32, #tpu.memory_space<hbm>> -> memref<512x128xf32, #tpu.memory_space<hbm>>
      tpu.enqueue_indirect_dma source(%dma_start3A_46 : memref<512x128xf32, #tpu.memory_space<hbm>>) target(%arg13 : memref<40x128xf32, #tpu.memory_space<vmem>>) offsets(%dma_start3A_43 : memref<40xi32, #tpu.memory_space<vmem>>) semaphore(%arg15 : memref<!tpu.dma_semaphore, #tpu.memory_space<semaphore_mem>>)
      %mul3A_47 = arith.constant 10 : i32
      %mul3A_48 = arith.muli %add3A_32, %mul3A_47 : i32
      %add3A_49 = arith.constant 10 : i32
      %add3A_50 = arith.addi %mul3A_48, %add3A_49 : i32
      %sub3A = arith.subi %add3A_50, %mul3A_48 : i32
      %sub3A_51 = arith.constant 1 : i32
      %sub3A_52 = arith.constant 1 : i32
      %sub3A_53 = arith.subi %sub3A_51, %sub3A_52 : i32
      %add3A_54 = arith.addi %sub3A, %sub3A_53 : i32
      %div3A = arith.constant 1 : i32
      %div3A_55 = arith.divsi %add3A_54, %div3A : i32
      %while3A = arith.constant 1 : i32
      %while3A_56 = arith.constant 0 : i32
      %while3A_57 = arith.subi %div3A_55, %while3A_56 : i32
      %while3A_58 = arith.addi %while3A_56, %while3A_57 : i32
      %while3A_59 = arith.constant 1 : i32
      %while3A_60 = arith.divsi %while3A_57, %while3A_59 : i32
      %while3A_61 = arith.muli %while3A_60, %while3A_59 : i32
      %while3A_62 = arith.addi %while3A_56, %while3A_61 : i32
      %while3A_63 = arith.constant 1 : i32
      scf.for %while3A_116 = %while3A_56 to %while3A_62 step %while3A_63  : i32 {
        %mul3A_117 = arith.muli %while3A_116, %while3A : i32
        %add3A_118 = arith.addi %mul3A_48, %mul3A_117 : i32
        "tpu.region"() ({
          %run_scoped3A = tpu.sem_alloc : memref<!tpu.dma_semaphore, #tpu.memory_space<semaphore_mem>>
          %dma_start3A_119 = arith.constant 0 : i32
          %dma_start3A_120 = tpu.memref_slice %arg9[%add3A_118, %dma_start3A_119] : memref<80x128xi32, #tpu.memory_space<vmem>> -> memref<1x128xi32, #tpu.memory_space<vmem>>
          %dma_start3A_121 = tpu.memref_squeeze %dma_start3A_120 : memref<1x128xi32, #tpu.memory_space<vmem>> -> memref<128xi32, #tpu.memory_space<vmem>>
          %dma_start3A_122 = arith.constant 0 : i32
          %dma_start3A_123 = arith.constant 0 : i32
          %dma_start3A_124 = tpu.memref_slice %arg16[%dma_start3A_122, %dma_start3A_123] : memref<10240x128xf32, #tpu.memory_space<vmem_shared>> -> memref<10240x128xf32, #tpu.memory_space<vmem_shared>>
          tpu.enqueue_indirect_dma source(%arg11 : memref<128x128xf32, #tpu.memory_space<vmem>>) target(%dma_start3A_124 : memref<10240x128xf32, #tpu.memory_space<vmem_shared>>) offsets(%dma_start3A_121 : memref<128xi32, #tpu.memory_space<vmem>>) semaphore(%run_scoped3A : memref<!tpu.dma_semaphore, #tpu.memory_space<semaphore_mem>>) {add = true}
          %dma_wait3A_125 = arith.constant 0 : i32
          %dma_wait3A_126 = tpu.memref_slice %arg9[%add3A_118, %dma_wait3A_125] : memref<80x128xi32, #tpu.memory_space<vmem>> -> memref<1x128xi32, #tpu.memory_space<vmem>>
          %dma_wait3A_127 = tpu.memref_squeeze %dma_wait3A_126 : memref<1x128xi32, #tpu.memory_space<vmem>> -> memref<128xi32, #tpu.memory_space<vmem>>
          %dma_wait3A_128 = arith.constant 0 : i32
          %dma_wait3A_129 = arith.constant 0 : i32
          %dma_wait3A_130 = tpu.memref_slice %arg16[%dma_wait3A_128, %dma_wait3A_129] : memref<10240x128xf32, #tpu.memory_space<vmem_shared>> -> memref<10240x128xf32, #tpu.memory_space<vmem_shared>>
          tpu.wait_indirect_dma semaphore(%run_scoped3A : memref<!tpu.dma_semaphore, #tpu.memory_space<semaphore_mem>>) src(%arg11 : memref<128x128xf32, #tpu.memory_space<vmem>>) dst(%dma_wait3A_130 : memref<10240x128xf32, #tpu.memory_space<vmem_shared>>)
          tpu.yield
        }) : () -> ()
      }
      %while3A_64 = arith.constant 1 : i32
      scf.for %while3A_116 = %while3A_62 to %while3A_58 step %while3A_64  : i32 {
        %mul3A_117 = arith.muli %while3A_116, %while3A : i32
        %add3A_118 = arith.addi %mul3A_48, %mul3A_117 : i32
        "tpu.region"() ({
          %run_scoped3A = tpu.sem_alloc : memref<!tpu.dma_semaphore, #tpu.memory_space<semaphore_mem>>
          %dma_start3A_119 = arith.constant 0 : i32
          %dma_start3A_120 = tpu.memref_slice %arg9[%add3A_118, %dma_start3A_119] : memref<80x128xi32, #tpu.memory_space<vmem>> -> memref<1x128xi32, #tpu.memory_space<vmem>>
          %dma_start3A_121 = tpu.memref_squeeze %dma_start3A_120 : memref<1x128xi32, #tpu.memory_space<vmem>> -> memref<128xi32, #tpu.memory_space<vmem>>
          %dma_start3A_122 = arith.constant 0 : i32
          %dma_start3A_123 = arith.constant 0 : i32
          %dma_start3A_124 = tpu.memref_slice %arg16[%dma_start3A_122, %dma_start3A_123] : memref<10240x128xf32, #tpu.memory_space<vmem_shared>> -> memref<10240x128xf32, #tpu.memory_space<vmem_shared>>
          tpu.enqueue_indirect_dma source(%arg11 : memref<128x128xf32, #tpu.memory_space<vmem>>) target(%dma_start3A_124 : memref<10240x128xf32, #tpu.memory_space<vmem_shared>>) offsets(%dma_start3A_121 : memref<128xi32, #tpu.memory_space<vmem>>) semaphore(%run_scoped3A : memref<!tpu.dma_semaphore, #tpu.memory_space<semaphore_mem>>) {add = true}
          %dma_wait3A_125 = arith.constant 0 : i32
          %dma_wait3A_126 = tpu.memref_slice %arg9[%add3A_118, %dma_wait3A_125] : memref<80x128xi32, #tpu.memory_space<vmem>> -> memref<1x128xi32, #tpu.memory_space<vmem>>
          %dma_wait3A_127 = tpu.memref_squeeze %dma_wait3A_126 : memref<1x128xi32, #tpu.memory_space<vmem>> -> memref<128xi32, #tpu.memory_space<vmem>>
          %dma_wait3A_128 = arith.constant 0 : i32
          %dma_wait3A_129 = arith.constant 0 : i32
          %dma_wait3A_130 = tpu.memref_slice %arg16[%dma_wait3A_128, %dma_wait3A_129] : memref<10240x128xf32, #tpu.memory_space<vmem_shared>> -> memref<10240x128xf32, #tpu.memory_space<vmem_shared>>
          tpu.wait_indirect_dma semaphore(%run_scoped3A : memref<!tpu.dma_semaphore, #tpu.memory_space<semaphore_mem>>) src(%arg11 : memref<128x128xf32, #tpu.memory_space<vmem>>) dst(%dma_wait3A_130 : memref<10240x128xf32, #tpu.memory_space<vmem_shared>>)
          tpu.yield
        }) : () -> ()
      }
      %mul3A_65 = arith.constant 320 : i32
      %mul3A_66 = arith.muli %add3A, %mul3A_65 : i32
      %mul3A_67 = arith.constant 40 : i32
      %mul3A_68 = arith.muli %add3A_32, %mul3A_67 : i32
      %add3A_69 = arith.addi %mul3A_66, %mul3A_68 : i32
      "tpu.region"() ({
        %run_scoped3A = tpu.sem_alloc : memref<!tpu.dma_semaphore, #tpu.memory_space<semaphore_mem>>
        %dma_start3A_116 = arith.constant 0 : i32
        %dma_start3A_117 = tpu.memref_slice %arg8[%add3A_69, %dma_start3A_116] : memref<10240x128xf32, #tpu.memory_space<hbm>> -> memref<40x128xf32, #tpu.memory_space<hbm>>
        %dma_start3A_118 = arith.constant 0 : i32
        %dma_start3A_119 = tpu.memref_slice %arg8[%add3A_69, %dma_start3A_118] : memref<10240x128xf32, #tpu.memory_space<hbm>> -> memref<40x128xf32, #tpu.memory_space<hbm>>
        tpu.enqueue_dma source(%arg12 : memref<40x128xf32, #tpu.memory_space<vmem>>) target(%dma_start3A_119 : memref<40x128xf32, #tpu.memory_space<hbm>>) target_semaphore(%run_scoped3A : memref<!tpu.dma_semaphore, #tpu.memory_space<semaphore_mem>>)
        %dma_wait3A_120 = arith.constant 0 : i32
        %dma_wait3A_121 = tpu.memref_slice %arg8[%add3A_69, %dma_wait3A_120] : memref<10240x128xf32, #tpu.memory_space<hbm>> -> memref<40x128xf32, #tpu.memory_space<hbm>>
        %dma_wait3A_122 = arith.constant 0 : i32
        %dma_wait3A_123 = tpu.memref_slice %arg8[%add3A_69, %dma_wait3A_122] : memref<10240x128xf32, #tpu.memory_space<hbm>> -> memref<40x128xf32, #tpu.memory_space<hbm>>
        tpu.wait_dma2 semaphore(%run_scoped3A : memref<!tpu.dma_semaphore, #tpu.memory_space<semaphore_mem>>) src(%arg12 : memref<40x128xf32, #tpu.memory_space<vmem>>) dst(%dma_wait3A_123 : memref<40x128xf32, #tpu.memory_space<hbm>>)
        tpu.yield
      }) : () -> ()
      %add3A_70 = arith.constant 1 : i32
      %add3A_71 = arith.addi %add3A_32, %add3A_70 : i32
      %dma_wait3A_72 = arith.constant 0 : i32
      %dma_wait3A_73 = tpu.memref_slice %arg10[%add3A_71, %dma_wait3A_72] : memref<9x40xi32, #tpu.memory_space<vmem>> -> memref<1x40xi32, #tpu.memory_space<vmem>>
      %dma_wait3A_74 = tpu.memref_squeeze %dma_wait3A_73 : memref<1x40xi32, #tpu.memory_space<vmem>> -> memref<40xi32, #tpu.memory_space<vmem>>
      %dma_wait3A_75 = arith.constant 0 : i32
      %dma_wait3A_76 = arith.constant 0 : i32
      %dma_wait3A_77 = tpu.memref_slice %arg4[%dma_wait3A_75, %dma_wait3A_76] : memref<512x128xf32, #tpu.memory_space<hbm>> -> memref<512x128xf32, #tpu.memory_space<hbm>>
      tpu.wait_indirect_dma semaphore(%arg15 : memref<!tpu.dma_semaphore, #tpu.memory_space<semaphore_mem>>) src(%dma_wait3A_77 : memref<512x128xf32, #tpu.memory_space<hbm>>) dst(%arg13 : memref<40x128xf32, #tpu.memory_space<vmem>>)
      %add3A_78 = arith.constant 2 : i32
      %add3A_79 = arith.addi %add3A_32, %add3A_78 : i32
      %dma_start3A_80 = arith.constant 0 : i32
      %dma_start3A_81 = tpu.memref_slice %arg10[%add3A_79, %dma_start3A_80] : memref<9x40xi32, #tpu.memory_space<vmem>> -> memref<1x40xi32, #tpu.memory_space<vmem>>
      %dma_start3A_82 = tpu.memref_squeeze %dma_start3A_81 : memref<1x40xi32, #tpu.memory_space<vmem>> -> memref<40xi32, #tpu.memory_space<vmem>>
      %dma_start3A_83 = arith.constant 0 : i32
      %dma_start3A_84 = arith.constant 0 : i32
      %dma_start3A_85 = tpu.memref_slice %arg4[%dma_start3A_83, %dma_start3A_84] : memref<512x128xf32, #tpu.memory_space<hbm>> -> memref<512x128xf32, #tpu.memory_space<hbm>>
      tpu.enqueue_indirect_dma source(%dma_start3A_85 : memref<512x128xf32, #tpu.memory_space<hbm>>) target(%arg12 : memref<40x128xf32, #tpu.memory_space<vmem>>) offsets(%dma_start3A_82 : memref<40xi32, #tpu.memory_space<vmem>>) semaphore(%arg14 : memref<!tpu.dma_semaphore, #tpu.memory_space<semaphore_mem>>)
      %add3A_86 = arith.constant 1 : i32
      %add3A_87 = arith.addi %add3A_32, %add3A_86 : i32
      %mul3A_88 = arith.constant 10 : i32
      %mul3A_89 = arith.muli %add3A_87, %mul3A_88 : i32
      %add3A_90 = arith.constant 10 : i32
      %add3A_91 = arith.addi %mul3A_89, %add3A_90 : i32
      %sub3A_92 = arith.subi %add3A_91, %mul3A_89 : i32
      %sub3A_93 = arith.constant 1 : i32
      %sub3A_94 = arith.constant 1 : i32
      %sub3A_95 = arith.subi %sub3A_93, %sub3A_94 : i32
      %add3A_96 = arith.addi %sub3A_92, %sub3A_95 : i32
      %div3A_97 = arith.constant 1 : i32
      %div3A_98 = arith.divsi %add3A_96, %div3A_97 : i32
      %while3A_99 = arith.constant 1 : i32
      %while3A_100 = arith.constant 0 : i32
      %while3A_101 = arith.subi %div3A_98, %while3A_100 : i32
      %while3A_102 = arith.addi %while3A_100, %while3A_101 : i32
      %while3A_103 = arith.constant 1 : i32
      %while3A_104 = arith.divsi %while3A_101, %while3A_103 : i32
      %while3A_105 = arith.muli %while3A_104, %while3A_103 : i32
      %while3A_106 = arith.addi %while3A_100, %while3A_105 : i32
      %while3A_107 = arith.constant 1 : i32
      scf.for %while3A_116 = %while3A_100 to %while3A_106 step %while3A_107  : i32 {
        %mul3A_117 = arith.muli %while3A_116, %while3A_99 : i32
        %add3A_118 = arith.addi %mul3A_89, %mul3A_117 : i32
        "tpu.region"() ({
          %run_scoped3A = tpu.sem_alloc : memref<!tpu.dma_semaphore, #tpu.memory_space<semaphore_mem>>
          %dma_start3A_119 = arith.constant 0 : i32
          %dma_start3A_120 = tpu.memref_slice %arg9[%add3A_118, %dma_start3A_119] : memref<80x128xi32, #tpu.memory_space<vmem>> -> memref<1x128xi32, #tpu.memory_space<vmem>>
          %dma_start3A_121 = tpu.memref_squeeze %dma_start3A_120 : memref<1x128xi32, #tpu.memory_space<vmem>> -> memref<128xi32, #tpu.memory_space<vmem>>
          %dma_start3A_122 = arith.constant 0 : i32
          %dma_start3A_123 = arith.constant 0 : i32
          %dma_start3A_124 = tpu.memref_slice %arg16[%dma_start3A_122, %dma_start3A_123] : memref<10240x128xf32, #tpu.memory_space<vmem_shared>> -> memref<10240x128xf32, #tpu.memory_space<vmem_shared>>
          tpu.enqueue_indirect_dma source(%arg11 : memref<128x128xf32, #tpu.memory_space<vmem>>) target(%dma_start3A_124 : memref<10240x128xf32, #tpu.memory_space<vmem_shared>>) offsets(%dma_start3A_121 : memref<128xi32, #tpu.memory_space<vmem>>) semaphore(%run_scoped3A : memref<!tpu.dma_semaphore, #tpu.memory_space<semaphore_mem>>) {add = true}
          %dma_wait3A_125 = arith.constant 0 : i32
          %dma_wait3A_126 = tpu.memref_slice %arg9[%add3A_118, %dma_wait3A_125] : memref<80x128xi32, #tpu.memory_space<vmem>> -> memref<1x128xi32, #tpu.memory_space<vmem>>
          %dma_wait3A_127 = tpu.memref_squeeze %dma_wait3A_126 : memref<1x128xi32, #tpu.memory_space<vmem>> -> memref<128xi32, #tpu.memory_space<vmem>>
          %dma_wait3A_128 = arith.constant 0 : i32
          %dma_wait3A_129 = arith.constant 0 : i32
          %dma_wait3A_130 = tpu.memref_slice %arg16[%dma_wait3A_128, %dma_wait3A_129] : memref<10240x128xf32, #tpu.memory_space<vmem_shared>> -> memref<10240x128xf32, #tpu.memory_space<vmem_shared>>
          tpu.wait_indirect_dma semaphore(%run_scoped3A : memref<!tpu.dma_semaphore, #tpu.memory_space<semaphore_mem>>) src(%arg11 : memref<128x128xf32, #tpu.memory_space<vmem>>) dst(%dma_wait3A_130 : memref<10240x128xf32, #tpu.memory_space<vmem_shared>>)
          tpu.yield
        }) : () -> ()
      }
      %while3A_108 = arith.constant 1 : i32
      scf.for %while3A_116 = %while3A_106 to %while3A_102 step %while3A_108  : i32 {
        %mul3A_117 = arith.muli %while3A_116, %while3A_99 : i32
        %add3A_118 = arith.addi %mul3A_89, %mul3A_117 : i32
        "tpu.region"() ({
          %run_scoped3A = tpu.sem_alloc : memref<!tpu.dma_semaphore, #tpu.memory_space<semaphore_mem>>
          %dma_start3A_119 = arith.constant 0 : i32
          %dma_start3A_120 = tpu.memref_slice %arg9[%add3A_118, %dma_start3A_119] : memref<80x128xi32, #tpu.memory_space<vmem>> -> memref<1x128xi32, #tpu.memory_space<vmem>>
          %dma_start3A_121 = tpu.memref_squeeze %dma_start3A_120 : memref<1x128xi32, #tpu.memory_space<vmem>> -> memref<128xi32, #tpu.memory_space<vmem>>
          %dma_start3A_122 = arith.constant 0 : i32
          %dma_start3A_123 = arith.constant 0 : i32
          %dma_start3A_124 = tpu.memref_slice %arg16[%dma_start3A_122, %dma_start3A_123] : memref<10240x128xf32, #tpu.memory_space<vmem_shared>> -> memref<10240x128xf32, #tpu.memory_space<vmem_shared>>
          tpu.enqueue_indirect_dma source(%arg11 : memref<128x128xf32, #tpu.memory_space<vmem>>) target(%dma_start3A_124 : memref<10240x128xf32, #tpu.memory_space<vmem_shared>>) offsets(%dma_start3A_121 : memref<128xi32, #tpu.memory_space<vmem>>) semaphore(%run_scoped3A : memref<!tpu.dma_semaphore, #tpu.memory_space<semaphore_mem>>) {add = true}
          %dma_wait3A_125 = arith.constant 0 : i32
          %dma_wait3A_126 = tpu.memref_slice %arg9[%add3A_118, %dma_wait3A_125] : memref<80x128xi32, #tpu.memory_space<vmem>> -> memref<1x128xi32, #tpu.memory_space<vmem>>
          %dma_wait3A_127 = tpu.memref_squeeze %dma_wait3A_126 : memref<1x128xi32, #tpu.memory_space<vmem>> -> memref<128xi32, #tpu.memory_space<vmem>>
          %dma_wait3A_128 = arith.constant 0 : i32
          %dma_wait3A_129 = arith.constant 0 : i32
          %dma_wait3A_130 = tpu.memref_slice %arg16[%dma_wait3A_128, %dma_wait3A_129] : memref<10240x128xf32, #tpu.memory_space<vmem_shared>> -> memref<10240x128xf32, #tpu.memory_space<vmem_shared>>
          tpu.wait_indirect_dma semaphore(%run_scoped3A : memref<!tpu.dma_semaphore, #tpu.memory_space<semaphore_mem>>) src(%arg11 : memref<128x128xf32, #tpu.memory_space<vmem>>) dst(%dma_wait3A_130 : memref<10240x128xf32, #tpu.memory_space<vmem_shared>>)
          tpu.yield
        }) : () -> ()
      }
      %mul3A_109 = arith.constant 320 : i32
      %mul3A_110 = arith.muli %add3A, %mul3A_109 : i32
      %add3A_111 = arith.constant 1 : i32
      %add3A_112 = arith.addi %add3A_32, %add3A_111 : i32
      %mul3A_113 = arith.constant 40 : i32
      %mul3A_114 = arith.muli %add3A_112, %mul3A_113 : i32
      %add3A_115 = arith.addi %mul3A_110, %mul3A_114 : i32
      "tpu.region"() ({
        %run_scoped3A = tpu.sem_alloc : memref<!tpu.dma_semaphore, #tpu.memory_space<semaphore_mem>>
        %dma_start3A_116 = arith.constant 0 : i32
        %dma_start3A_117 = tpu.memref_slice %arg8[%add3A_115, %dma_start3A_116] : memref<10240x128xf32, #tpu.memory_space<hbm>> -> memref<40x128xf32, #tpu.memory_space<hbm>>
        %dma_start3A_118 = arith.constant 0 : i32
        %dma_start3A_119 = tpu.memref_slice %arg8[%add3A_115, %dma_start3A_118] : memref<10240x128xf32, #tpu.memory_space<hbm>> -> memref<40x128xf32, #tpu.memory_space<hbm>>
        tpu.enqueue_dma source(%arg13 : memref<40x128xf32, #tpu.memory_space<vmem>>) target(%dma_start3A_119 : memref<40x128xf32, #tpu.memory_space<hbm>>) target_semaphore(%run_scoped3A : memref<!tpu.dma_semaphore, #tpu.memory_space<semaphore_mem>>)
        %dma_wait3A_120 = arith.constant 0 : i32
        %dma_wait3A_121 = tpu.memref_slice %arg8[%add3A_115, %dma_wait3A_120] : memref<10240x128xf32, #tpu.memory_space<hbm>> -> memref<40x128xf32, #tpu.memory_space<hbm>>
        %dma_wait3A_122 = arith.constant 0 : i32
        %dma_wait3A_123 = tpu.memref_slice %arg8[%add3A_115, %dma_wait3A_122] : memref<10240x128xf32, #tpu.memory_space<hbm>> -> memref<40x128xf32, #tpu.memory_space<hbm>>
        tpu.wait_dma2 semaphore(%run_scoped3A : memref<!tpu.dma_semaphore, #tpu.memory_space<semaphore_mem>>) src(%arg13 : memref<40x128xf32, #tpu.memory_space<vmem>>) dst(%dma_wait3A_123 : memref<40x128xf32, #tpu.memory_space<hbm>>)
        tpu.yield
      }) : () -> ()
    }
    %scan3A_16 = arith.constant 4 : i32
    %dma_wait3A = arith.constant 8 : i32
    %dma_wait3A_17 = arith.constant 0 : i32
    %dma_wait3A_18 = tpu.memref_slice %arg10[%dma_wait3A, %dma_wait3A_17] : memref<9x40xi32, #tpu.memory_space<vmem>> -> memref<1x40xi32, #tpu.memory_space<vmem>>
    %dma_wait3A_19 = tpu.memref_squeeze %dma_wait3A_18 : memref<1x40xi32, #tpu.memory_space<vmem>> -> memref<40xi32, #tpu.memory_space<vmem>>
    %dma_wait3A_20 = arith.constant 0 : i32
    %dma_wait3A_21 = arith.constant 0 : i32
    %dma_wait3A_22 = tpu.memref_slice %arg4[%dma_wait3A_20, %dma_wait3A_21] : memref<512x128xf32, #tpu.memory_space<hbm>> -> memref<512x128xf32, #tpu.memory_space<hbm>>
    tpu.wait_indirect_dma semaphore(%arg14 : memref<!tpu.dma_semaphore, #tpu.memory_space<semaphore_mem>>) src(%dma_wait3A_22 : memref<512x128xf32, #tpu.memory_space<hbm>>) dst(%arg12 : memref<40x128xf32, #tpu.memory_space<vmem>>)
    %barrier3A_23 = arith.constant 0 : index
    tpu.barrier barrier_id(%barrier3A_23)
    %mul3A_24 = arith.constant 640 : i32
    %mul3A_25 = arith.muli %arg1, %mul3A_24 : i32
    %mul3A_26 = arith.constant 640 : i32
    %mul3A_27 = arith.muli %arg1, %mul3A_26 : i32
    "tpu.region"() ({
      %run_scoped3A = tpu.sem_alloc : memref<!tpu.dma_semaphore, #tpu.memory_space<semaphore_mem>>
      %dma_start3A_28 = arith.constant 0 : i32
      %dma_start3A_29 = tpu.memref_slice %arg7[%arg0, %mul3A_27, %dma_start3A_28] : memref<2x10240x128xf32, #tpu.memory_space<hbm>> -> memref<1x640x128xf32, #tpu.memory_space<hbm>>
      %dma_start3A_30 = tpu.memref_squeeze %dma_start3A_29 : memref<1x640x128xf32, #tpu.memory_space<hbm>> -> memref<640x128xf32, #tpu.memory_space<hbm>>
      %dma_start3A_31 = arith.constant 0 : i32
      %dma_start3A_32 = tpu.memref_slice %arg16[%mul3A_25, %dma_start3A_31] : memref<10240x128xf32, #tpu.memory_space<vmem_shared>> -> memref<640x128xf32, #tpu.memory_space<vmem_shared>>
      tpu.enqueue_dma source(%dma_start3A_32 : memref<640x128xf32, #tpu.memory_space<vmem_shared>>) target(%dma_start3A_30 : memref<640x128xf32, #tpu.memory_space<hbm>>) target_semaphore(%run_scoped3A : memref<!tpu.dma_semaphore, #tpu.memory_space<semaphore_mem>>)
      %dma_wait3A_33 = arith.constant 0 : i32
      %dma_wait3A_34 = tpu.memref_slice %arg7[%arg0, %mul3A_27, %dma_wait3A_33] : memref<2x10240x128xf32, #tpu.memory_space<hbm>> -> memref<1x640x128xf32, #tpu.memory_space<hbm>>
      %dma_wait3A_35 = tpu.memref_squeeze %dma_wait3A_34 : memref<1x640x128xf32, #tpu.memory_space<hbm>> -> memref<640x128xf32, #tpu.memory_space<hbm>>
      %dma_wait3A_36 = arith.constant 0 : i32
      %dma_wait3A_37 = tpu.memref_slice %arg16[%mul3A_25, %dma_wait3A_36] : memref<10240x128xf32, #tpu.memory_space<vmem_shared>> -> memref<640x128xf32, #tpu.memory_space<vmem_shared>>
      tpu.wait_dma2 semaphore(%run_scoped3A : memref<!tpu.dma_semaphore, #tpu.memory_space<semaphore_mem>>) src(%dma_wait3A_37 : memref<640x128xf32, #tpu.memory_space<vmem_shared>>) dst(%dma_wait3A_35 : memref<640x128xf32, #tpu.memory_space<hbm>>)
      tpu.yield
    }) : () -> ()
    return
  }
}

#map = affine_map<(d0, d1) -> (0, 0)>
#map1 = affine_map<(d0, d1) -> (0, 0, 0)>
module attributes {stable_mosaic.version = 14 : i64} {
  func.func @gnn_sc_conv(%arg0: i32, %arg1: i32, %arg2: memref<10240x128xf32, #tpu.memory_space<hbm>>, %arg3: memref<2560x128xi32, #tpu.memory_space<hbm>>, %arg4: memref<2560x128xi32, #tpu.memory_space<hbm>>, %arg5: memref<10240x128xf32, #tpu.memory_space<hbm>>, %arg6: memref<2x10240x128xf32, #tpu.memory_space<hbm>>, %arg7: memref<40x128xi32, #tpu.memory_space<vmem>>, %arg8: memref<40x128xi32, #tpu.memory_space<vmem>>, %arg9: memref<128x128xf32, #tpu.memory_space<vmem>>, %arg10: memref<128x128xf32, #tpu.memory_space<vmem>>, %arg11: memref<!tpu.dma_semaphore, #tpu.memory_space<semaphore_mem>>, %arg12: memref<!tpu.dma_semaphore, #tpu.memory_space<semaphore_mem>>, %arg13: memref<10240x128xf32, #tpu.memory_space<vmem_shared>>) attributes {dimension_semantics = [#tpu.dimension_semantics<core_parallel>, #tpu.dimension_semantics<subcore_parallel>], iteration_bounds = array<i64: 2, 16>, scalar_prefetch = 0 : i64, scratch_operands = 7 : i64, tpu.core_type = #tpu.core_type<sc_vector_subcore>, window_params = [{transform_indices = #map}, {transform_indices = #map}, {transform_indices = #map}, {transform_indices = #map}, {transform_indices = #map1}]} {
    %mul3A = arith.constant 2 : i32
    %mul3A_0 = arith.muli %arg1, %mul3A : i32
    %add3A = arith.addi %mul3A_0, %arg0 : i32
    %mul3A_1 = arith.constant 640 : i32
    %mul3A_2 = arith.muli %arg1, %mul3A_1 : i32
    %mul3A_3 = arith.constant 640 : i32
    %mul3A_4 = arith.muli %arg1, %mul3A_3 : i32
    "tpu.region"() ({
      %run_scoped3A = tpu.sem_alloc : memref<!tpu.dma_semaphore, #tpu.memory_space<semaphore_mem>>
      %dma_start3A = arith.constant 0 : i32
      %dma_start3A_14 = tpu.memref_slice %arg13[%mul3A_4, %dma_start3A] : memref<10240x128xf32, #tpu.memory_space<vmem_shared>> -> memref<640x128xf32, #tpu.memory_space<vmem_shared>>
      %dma_start3A_15 = arith.constant 0 : i32
      %dma_start3A_16 = tpu.memref_slice %arg5[%mul3A_2, %dma_start3A_15] : memref<10240x128xf32, #tpu.memory_space<hbm>> -> memref<640x128xf32, #tpu.memory_space<hbm>>
      tpu.enqueue_dma source(%dma_start3A_16 : memref<640x128xf32, #tpu.memory_space<hbm>>) target(%dma_start3A_14 : memref<640x128xf32, #tpu.memory_space<vmem_shared>>) target_semaphore(%run_scoped3A : memref<!tpu.dma_semaphore, #tpu.memory_space<semaphore_mem>>)
      %dma_wait3A = arith.constant 0 : i32
      %dma_wait3A_17 = tpu.memref_slice %arg13[%mul3A_4, %dma_wait3A] : memref<10240x128xf32, #tpu.memory_space<vmem_shared>> -> memref<640x128xf32, #tpu.memory_space<vmem_shared>>
      %dma_wait3A_18 = arith.constant 0 : i32
      %dma_wait3A_19 = tpu.memref_slice %arg5[%mul3A_2, %dma_wait3A_18] : memref<10240x128xf32, #tpu.memory_space<hbm>> -> memref<640x128xf32, #tpu.memory_space<hbm>>
      tpu.wait_dma2 semaphore(%run_scoped3A : memref<!tpu.dma_semaphore, #tpu.memory_space<semaphore_mem>>) src(%dma_wait3A_19 : memref<640x128xf32, #tpu.memory_space<hbm>>) dst(%dma_wait3A_17 : memref<640x128xf32, #tpu.memory_space<vmem_shared>>)
      tpu.yield
    }) : () -> ()
    %barrier3A = arith.constant 0 : index
    tpu.barrier barrier_id(%barrier3A)
    %scan3A = arith.constant 0 : i32
    %scan3A_5 = arith.constant 2 : i32
    %scan3A_6 = arith.addi %scan3A, %scan3A_5 : i32
    %scan3A_7 = arith.constant 1 : i32
    scf.for %scan3A_14 = %scan3A to %scan3A_6 step %scan3A_7  : i32 {
      %mul3A_15 = arith.constant 1 : i32
      %mul3A_16 = arith.muli %scan3A_14, %mul3A_15 : i32
      %add3A_17 = arith.constant 0 : i32
      %add3A_18 = arith.addi %add3A_17, %mul3A_16 : i32
      %mul3A_19 = arith.constant 80 : i32
      %mul3A_20 = arith.muli %add3A, %mul3A_19 : i32
      %mul3A_21 = arith.constant 40 : i32
      %mul3A_22 = arith.muli %add3A_18, %mul3A_21 : i32
      %add3A_23 = arith.addi %mul3A_20, %mul3A_22 : i32
      "tpu.region"() ({
        %run_scoped3A = tpu.sem_alloc : memref<!tpu.dma_semaphore, #tpu.memory_space<semaphore_mem>>
        %dma_start3A_35 = arith.constant 0 : i32
        %dma_start3A_36 = tpu.memref_slice %arg3[%add3A_23, %dma_start3A_35] : memref<2560x128xi32, #tpu.memory_space<hbm>> -> memref<40x128xi32, #tpu.memory_space<hbm>>
        %dma_start3A_37 = arith.constant 0 : i32
        %dma_start3A_38 = tpu.memref_slice %arg3[%add3A_23, %dma_start3A_37] : memref<2560x128xi32, #tpu.memory_space<hbm>> -> memref<40x128xi32, #tpu.memory_space<hbm>>
        tpu.enqueue_dma source(%dma_start3A_38 : memref<40x128xi32, #tpu.memory_space<hbm>>) target(%arg7 : memref<40x128xi32, #tpu.memory_space<vmem>>) target_semaphore(%run_scoped3A : memref<!tpu.dma_semaphore, #tpu.memory_space<semaphore_mem>>)
        %dma_wait3A = arith.constant 0 : i32
        %dma_wait3A_39 = tpu.memref_slice %arg3[%add3A_23, %dma_wait3A] : memref<2560x128xi32, #tpu.memory_space<hbm>> -> memref<40x128xi32, #tpu.memory_space<hbm>>
        %dma_wait3A_40 = arith.constant 0 : i32
        %dma_wait3A_41 = tpu.memref_slice %arg3[%add3A_23, %dma_wait3A_40] : memref<2560x128xi32, #tpu.memory_space<hbm>> -> memref<40x128xi32, #tpu.memory_space<hbm>>
        tpu.wait_dma2 semaphore(%run_scoped3A : memref<!tpu.dma_semaphore, #tpu.memory_space<semaphore_mem>>) src(%dma_wait3A_41 : memref<40x128xi32, #tpu.memory_space<hbm>>) dst(%arg7 : memref<40x128xi32, #tpu.memory_space<vmem>>)
        tpu.yield
      }) : () -> ()
      "tpu.region"() ({
        %run_scoped3A = tpu.sem_alloc : memref<!tpu.dma_semaphore, #tpu.memory_space<semaphore_mem>>
        %dma_start3A_35 = arith.constant 0 : i32
        %dma_start3A_36 = tpu.memref_slice %arg4[%add3A_23, %dma_start3A_35] : memref<2560x128xi32, #tpu.memory_space<hbm>> -> memref<40x128xi32, #tpu.memory_space<hbm>>
        %dma_start3A_37 = arith.constant 0 : i32
        %dma_start3A_38 = tpu.memref_slice %arg4[%add3A_23, %dma_start3A_37] : memref<2560x128xi32, #tpu.memory_space<hbm>> -> memref<40x128xi32, #tpu.memory_space<hbm>>
        tpu.enqueue_dma source(%dma_start3A_38 : memref<40x128xi32, #tpu.memory_space<hbm>>) target(%arg8 : memref<40x128xi32, #tpu.memory_space<vmem>>) target_semaphore(%run_scoped3A : memref<!tpu.dma_semaphore, #tpu.memory_space<semaphore_mem>>)
        %dma_wait3A = arith.constant 0 : i32
        %dma_wait3A_39 = tpu.memref_slice %arg4[%add3A_23, %dma_wait3A] : memref<2560x128xi32, #tpu.memory_space<hbm>> -> memref<40x128xi32, #tpu.memory_space<hbm>>
        %dma_wait3A_40 = arith.constant 0 : i32
        %dma_wait3A_41 = tpu.memref_slice %arg4[%add3A_23, %dma_wait3A_40] : memref<2560x128xi32, #tpu.memory_space<hbm>> -> memref<40x128xi32, #tpu.memory_space<hbm>>
        tpu.wait_dma2 semaphore(%run_scoped3A : memref<!tpu.dma_semaphore, #tpu.memory_space<semaphore_mem>>) src(%dma_wait3A_41 : memref<40x128xi32, #tpu.memory_space<hbm>>) dst(%arg8 : memref<40x128xi32, #tpu.memory_space<vmem>>)
        tpu.yield
      }) : () -> ()
      %dma_start3A = arith.constant 0 : i32
      %dma_start3A_24 = arith.constant 0 : i32
      %dma_start3A_25 = tpu.memref_slice %arg7[%dma_start3A, %dma_start3A_24] : memref<40x128xi32, #tpu.memory_space<vmem>> -> memref<1x128xi32, #tpu.memory_space<vmem>>
      %dma_start3A_26 = tpu.memref_squeeze %dma_start3A_25 : memref<1x128xi32, #tpu.memory_space<vmem>> -> memref<128xi32, #tpu.memory_space<vmem>>
      %dma_start3A_27 = arith.constant 0 : i32
      %dma_start3A_28 = arith.constant 0 : i32
      %dma_start3A_29 = tpu.memref_slice %arg2[%dma_start3A_27, %dma_start3A_28] : memref<10240x128xf32, #tpu.memory_space<hbm>> -> memref<10240x128xf32, #tpu.memory_space<hbm>>
      tpu.enqueue_indirect_dma source(%dma_start3A_29 : memref<10240x128xf32, #tpu.memory_space<hbm>>) target(%arg9 : memref<128x128xf32, #tpu.memory_space<vmem>>) offsets(%dma_start3A_26 : memref<128xi32, #tpu.memory_space<vmem>>) semaphore(%arg11 : memref<!tpu.dma_semaphore, #tpu.memory_space<semaphore_mem>>)
      %scan3A_30 = arith.constant 0 : i32
      %scan3A_31 = arith.constant 20 : i32
      %scan3A_32 = arith.addi %scan3A_30, %scan3A_31 : i32
      %scan3A_33 = arith.constant 1 : i32
      scf.for %scan3A_35 = %scan3A_30 to %scan3A_32 step %scan3A_33  : i32 {
        %mul3A_36 = arith.constant 2 : i32
        %mul3A_37 = arith.muli %scan3A_35, %mul3A_36 : i32
        %add3A_38 = arith.constant 0 : i32
        %add3A_39 = arith.addi %add3A_38, %mul3A_37 : i32
        %add3A_40 = arith.constant 1 : i32
        %add3A_41 = arith.addi %add3A_39, %add3A_40 : i32
        %dma_start3A_42 = arith.constant 0 : i32
        %dma_start3A_43 = tpu.memref_slice %arg7[%add3A_41, %dma_start3A_42] : memref<40x128xi32, #tpu.memory_space<vmem>> -> memref<1x128xi32, #tpu.memory_space<vmem>>
        %dma_start3A_44 = tpu.memref_squeeze %dma_start3A_43 : memref<1x128xi32, #tpu.memory_space<vmem>> -> memref<128xi32, #tpu.memory_space<vmem>>
        %dma_start3A_45 = arith.constant 0 : i32
        %dma_start3A_46 = arith.constant 0 : i32
        %dma_start3A_47 = tpu.memref_slice %arg2[%dma_start3A_45, %dma_start3A_46] : memref<10240x128xf32, #tpu.memory_space<hbm>> -> memref<10240x128xf32, #tpu.memory_space<hbm>>
        tpu.enqueue_indirect_dma source(%dma_start3A_47 : memref<10240x128xf32, #tpu.memory_space<hbm>>) target(%arg10 : memref<128x128xf32, #tpu.memory_space<vmem>>) offsets(%dma_start3A_44 : memref<128xi32, #tpu.memory_space<vmem>>) semaphore(%arg12 : memref<!tpu.dma_semaphore, #tpu.memory_space<semaphore_mem>>)
        %dma_wait3A = arith.constant 0 : i32
        %dma_wait3A_48 = tpu.memref_slice %arg7[%add3A_39, %dma_wait3A] : memref<40x128xi32, #tpu.memory_space<vmem>> -> memref<1x128xi32, #tpu.memory_space<vmem>>
        %dma_wait3A_49 = tpu.memref_squeeze %dma_wait3A_48 : memref<1x128xi32, #tpu.memory_space<vmem>> -> memref<128xi32, #tpu.memory_space<vmem>>
        %dma_wait3A_50 = arith.constant 0 : i32
        %dma_wait3A_51 = arith.constant 0 : i32
        %dma_wait3A_52 = tpu.memref_slice %arg2[%dma_wait3A_50, %dma_wait3A_51] : memref<10240x128xf32, #tpu.memory_space<hbm>> -> memref<10240x128xf32, #tpu.memory_space<hbm>>
        tpu.wait_indirect_dma semaphore(%arg11 : memref<!tpu.dma_semaphore, #tpu.memory_space<semaphore_mem>>) src(%dma_wait3A_52 : memref<10240x128xf32, #tpu.memory_space<hbm>>) dst(%arg9 : memref<128x128xf32, #tpu.memory_space<vmem>>)
        "tpu.region"() ({
          %run_scoped3A = tpu.sem_alloc : memref<!tpu.dma_semaphore, #tpu.memory_space<semaphore_mem>>
          %dma_start3A_67 = arith.constant 0 : i32
          %dma_start3A_68 = tpu.memref_slice %arg8[%add3A_39, %dma_start3A_67] : memref<40x128xi32, #tpu.memory_space<vmem>> -> memref<1x128xi32, #tpu.memory_space<vmem>>
          %dma_start3A_69 = tpu.memref_squeeze %dma_start3A_68 : memref<1x128xi32, #tpu.memory_space<vmem>> -> memref<128xi32, #tpu.memory_space<vmem>>
          %dma_start3A_70 = arith.constant 0 : i32
          %dma_start3A_71 = arith.constant 0 : i32
          %dma_start3A_72 = tpu.memref_slice %arg13[%dma_start3A_70, %dma_start3A_71] : memref<10240x128xf32, #tpu.memory_space<vmem_shared>> -> memref<10240x128xf32, #tpu.memory_space<vmem_shared>>
          tpu.enqueue_indirect_dma source(%arg9 : memref<128x128xf32, #tpu.memory_space<vmem>>) target(%dma_start3A_72 : memref<10240x128xf32, #tpu.memory_space<vmem_shared>>) offsets(%dma_start3A_69 : memref<128xi32, #tpu.memory_space<vmem>>) semaphore(%run_scoped3A : memref<!tpu.dma_semaphore, #tpu.memory_space<semaphore_mem>>) {add = true}
          %dma_wait3A_73 = arith.constant 0 : i32
          %dma_wait3A_74 = tpu.memref_slice %arg8[%add3A_39, %dma_wait3A_73] : memref<40x128xi32, #tpu.memory_space<vmem>> -> memref<1x128xi32, #tpu.memory_space<vmem>>
          %dma_wait3A_75 = tpu.memref_squeeze %dma_wait3A_74 : memref<1x128xi32, #tpu.memory_space<vmem>> -> memref<128xi32, #tpu.memory_space<vmem>>
          %dma_wait3A_76 = arith.constant 0 : i32
          %dma_wait3A_77 = arith.constant 0 : i32
          %dma_wait3A_78 = tpu.memref_slice %arg13[%dma_wait3A_76, %dma_wait3A_77] : memref<10240x128xf32, #tpu.memory_space<vmem_shared>> -> memref<10240x128xf32, #tpu.memory_space<vmem_shared>>
          tpu.wait_indirect_dma semaphore(%run_scoped3A : memref<!tpu.dma_semaphore, #tpu.memory_space<semaphore_mem>>) src(%arg9 : memref<128x128xf32, #tpu.memory_space<vmem>>) dst(%dma_wait3A_78 : memref<10240x128xf32, #tpu.memory_space<vmem_shared>>)
          tpu.yield
        }) : () -> ()
        %add3A_53 = arith.constant 2 : i32
        %add3A_54 = arith.addi %add3A_39, %add3A_53 : i32
        %lt3A = arith.constant 40 : i32
        %lt3A_55 = arith.cmpi slt, %add3A_54, %lt3A : i32
        %convert_element_type3A = arith.extui %lt3A_55 : i1 to i32
        %cond3A = arith.constant 0 : i32
        %cond3A_56 = arith.cmpi ne, %convert_element_type3A, %cond3A : i32
        scf.if %cond3A_56 {
          %add3A_67 = arith.constant 2 : i32
          %add3A_68 = arith.addi %add3A_39, %add3A_67 : i32
          %dma_start3A_69 = arith.constant 0 : i32
          %dma_start3A_70 = tpu.memref_slice %arg7[%add3A_68, %dma_start3A_69] : memref<40x128xi32, #tpu.memory_space<vmem>> -> memref<1x128xi32, #tpu.memory_space<vmem>>
          %dma_start3A_71 = tpu.memref_squeeze %dma_start3A_70 : memref<1x128xi32, #tpu.memory_space<vmem>> -> memref<128xi32, #tpu.memory_space<vmem>>
          %dma_start3A_72 = arith.constant 0 : i32
          %dma_start3A_73 = arith.constant 0 : i32
          %dma_start3A_74 = tpu.memref_slice %arg2[%dma_start3A_72, %dma_start3A_73] : memref<10240x128xf32, #tpu.memory_space<hbm>> -> memref<10240x128xf32, #tpu.memory_space<hbm>>
          tpu.enqueue_indirect_dma source(%dma_start3A_74 : memref<10240x128xf32, #tpu.memory_space<hbm>>) target(%arg9 : memref<128x128xf32, #tpu.memory_space<vmem>>) offsets(%dma_start3A_71 : memref<128xi32, #tpu.memory_space<vmem>>) semaphore(%arg11 : memref<!tpu.dma_semaphore, #tpu.memory_space<semaphore_mem>>)
        } else {
        }
        %add3A_57 = arith.constant 1 : i32
        %add3A_58 = arith.addi %add3A_39, %add3A_57 : i32
        %dma_wait3A_59 = arith.constant 0 : i32
        %dma_wait3A_60 = tpu.memref_slice %arg7[%add3A_58, %dma_wait3A_59] : memref<40x128xi32, #tpu.memory_space<vmem>> -> memref<1x128xi32, #tpu.memory_space<vmem>>
        %dma_wait3A_61 = tpu.memref_squeeze %dma_wait3A_60 : memref<1x128xi32, #tpu.memory_space<vmem>> -> memref<128xi32, #tpu.memory_space<vmem>>
        %dma_wait3A_62 = arith.constant 0 : i32
        %dma_wait3A_63 = arith.constant 0 : i32
        %dma_wait3A_64 = tpu.memref_slice %arg2[%dma_wait3A_62, %dma_wait3A_63] : memref<10240x128xf32, #tpu.memory_space<hbm>> -> memref<10240x128xf32, #tpu.memory_space<hbm>>
        tpu.wait_indirect_dma semaphore(%arg12 : memref<!tpu.dma_semaphore, #tpu.memory_space<semaphore_mem>>) src(%dma_wait3A_64 : memref<10240x128xf32, #tpu.memory_space<hbm>>) dst(%arg10 : memref<128x128xf32, #tpu.memory_space<vmem>>)
        %add3A_65 = arith.constant 1 : i32
        %add3A_66 = arith.addi %add3A_39, %add3A_65 : i32
        "tpu.region"() ({
          %run_scoped3A = tpu.sem_alloc : memref<!tpu.dma_semaphore, #tpu.memory_space<semaphore_mem>>
          %dma_start3A_67 = arith.constant 0 : i32
          %dma_start3A_68 = tpu.memref_slice %arg8[%add3A_66, %dma_start3A_67] : memref<40x128xi32, #tpu.memory_space<vmem>> -> memref<1x128xi32, #tpu.memory_space<vmem>>
          %dma_start3A_69 = tpu.memref_squeeze %dma_start3A_68 : memref<1x128xi32, #tpu.memory_space<vmem>> -> memref<128xi32, #tpu.memory_space<vmem>>
          %dma_start3A_70 = arith.constant 0 : i32
          %dma_start3A_71 = arith.constant 0 : i32
          %dma_start3A_72 = tpu.memref_slice %arg13[%dma_start3A_70, %dma_start3A_71] : memref<10240x128xf32, #tpu.memory_space<vmem_shared>> -> memref<10240x128xf32, #tpu.memory_space<vmem_shared>>
          tpu.enqueue_indirect_dma source(%arg10 : memref<128x128xf32, #tpu.memory_space<vmem>>) target(%dma_start3A_72 : memref<10240x128xf32, #tpu.memory_space<vmem_shared>>) offsets(%dma_start3A_69 : memref<128xi32, #tpu.memory_space<vmem>>) semaphore(%run_scoped3A : memref<!tpu.dma_semaphore, #tpu.memory_space<semaphore_mem>>) {add = true}
          %dma_wait3A_73 = arith.constant 0 : i32
          %dma_wait3A_74 = tpu.memref_slice %arg8[%add3A_66, %dma_wait3A_73] : memref<40x128xi32, #tpu.memory_space<vmem>> -> memref<1x128xi32, #tpu.memory_space<vmem>>
          %dma_wait3A_75 = tpu.memref_squeeze %dma_wait3A_74 : memref<1x128xi32, #tpu.memory_space<vmem>> -> memref<128xi32, #tpu.memory_space<vmem>>
          %dma_wait3A_76 = arith.constant 0 : i32
          %dma_wait3A_77 = arith.constant 0 : i32
          %dma_wait3A_78 = tpu.memref_slice %arg13[%dma_wait3A_76, %dma_wait3A_77] : memref<10240x128xf32, #tpu.memory_space<vmem_shared>> -> memref<10240x128xf32, #tpu.memory_space<vmem_shared>>
          tpu.wait_indirect_dma semaphore(%run_scoped3A : memref<!tpu.dma_semaphore, #tpu.memory_space<semaphore_mem>>) src(%arg10 : memref<128x128xf32, #tpu.memory_space<vmem>>) dst(%dma_wait3A_78 : memref<10240x128xf32, #tpu.memory_space<vmem_shared>>)
          tpu.yield
        }) : () -> ()
      }
      %scan3A_34 = arith.constant 20 : i32
    }
    %scan3A_8 = arith.constant 2 : i32
    %barrier3A_9 = arith.constant 0 : index
    tpu.barrier barrier_id(%barrier3A_9)
    %mul3A_10 = arith.constant 640 : i32
    %mul3A_11 = arith.muli %arg1, %mul3A_10 : i32
    %mul3A_12 = arith.constant 640 : i32
    %mul3A_13 = arith.muli %arg1, %mul3A_12 : i32
    "tpu.region"() ({
      %run_scoped3A = tpu.sem_alloc : memref<!tpu.dma_semaphore, #tpu.memory_space<semaphore_mem>>
      %dma_start3A = arith.constant 0 : i32
      %dma_start3A_14 = tpu.memref_slice %arg6[%arg0, %mul3A_13, %dma_start3A] : memref<2x10240x128xf32, #tpu.memory_space<hbm>> -> memref<1x640x128xf32, #tpu.memory_space<hbm>>
      %dma_start3A_15 = tpu.memref_squeeze %dma_start3A_14 : memref<1x640x128xf32, #tpu.memory_space<hbm>> -> memref<640x128xf32, #tpu.memory_space<hbm>>
      %dma_start3A_16 = arith.constant 0 : i32
      %dma_start3A_17 = tpu.memref_slice %arg13[%mul3A_11, %dma_start3A_16] : memref<10240x128xf32, #tpu.memory_space<vmem_shared>> -> memref<640x128xf32, #tpu.memory_space<vmem_shared>>
      tpu.enqueue_dma source(%dma_start3A_17 : memref<640x128xf32, #tpu.memory_space<vmem_shared>>) target(%dma_start3A_15 : memref<640x128xf32, #tpu.memory_space<hbm>>) target_semaphore(%run_scoped3A : memref<!tpu.dma_semaphore, #tpu.memory_space<semaphore_mem>>)
      %dma_wait3A = arith.constant 0 : i32
      %dma_wait3A_18 = tpu.memref_slice %arg6[%arg0, %mul3A_13, %dma_wait3A] : memref<2x10240x128xf32, #tpu.memory_space<hbm>> -> memref<1x640x128xf32, #tpu.memory_space<hbm>>
      %dma_wait3A_19 = tpu.memref_squeeze %dma_wait3A_18 : memref<1x640x128xf32, #tpu.memory_space<hbm>> -> memref<640x128xf32, #tpu.memory_space<hbm>>
      %dma_wait3A_20 = arith.constant 0 : i32
      %dma_wait3A_21 = tpu.memref_slice %arg13[%mul3A_11, %dma_wait3A_20] : memref<10240x128xf32, #tpu.memory_space<vmem_shared>> -> memref<640x128xf32, #tpu.memory_space<vmem_shared>>
      tpu.wait_dma2 semaphore(%run_scoped3A : memref<!tpu.dma_semaphore, #tpu.memory_space<semaphore_mem>>) src(%dma_wait3A_21 : memref<640x128xf32, #tpu.memory_space<vmem_shared>>) dst(%dma_wait3A_19 : memref<640x128xf32, #tpu.memory_space<hbm>>)
      tpu.yield
    }) : () -> ()
    return
  }
}

module attributes {stable_mosaic.version = 14 : i64} {
  func.func @_tc_mid_body(%arg0: i32, %arg1: memref<2x1024x128xf32, #tpu.memory_space<vmem>>, %arg2: memref<1024x128xf32, #tpu.memory_space<vmem>>, %arg3: memref<1024x128xf32, #tpu.memory_space<vmem>>, %arg4: memref<1x128xf32, #tpu.memory_space<vmem>>, %arg5: memref<128x128xf32, #tpu.memory_space<vmem>>, %arg6: memref<1024x128xf32, #tpu.memory_space<vmem>>) attributes {dimension_semantics = [#tpu.dimension_semantics<arbitrary>], iteration_bounds = array<i64: 10>, scalar_prefetch = 0 : i64, scratch_operands = 0 : i64, tpu.core_type = #tpu.core_type<tc>, window_params = [{transform_indices = @transform_0, window_bounds = array<i64: 2, 1024, 128>}, {transform_indices = @transform_1, window_bounds = array<i64: 1024, 128>}, {transform_indices = @transform_2, window_bounds = array<i64: 1024, 128>}, {pipeline_mode = #tpu.pipeline_mode<synchronous>, transform_indices = @transform_3, window_bounds = array<i64: 1, 128>}, {pipeline_mode = #tpu.pipeline_mode<synchronous>, transform_indices = @transform_4, window_bounds = array<i64: 128, 128>}, {transform_indices = @transform_5, window_bounds = array<i64: 1024, 128>}]} {
    %get3A = arith.constant 0 : index
    %get3A_0 = arith.constant 0 : index
    %get3A_1 = vector.load %arg3[%get3A, %get3A_0] : memref<1024x128xf32, #tpu.memory_space<vmem>>, vector<1024x128xf32>
    %get3A_2 = arith.constant 0 : index
    %get3A_3 = arith.constant 0 : index
    %get3A_4 = arith.constant 0 : index
    %get3A_5 = vector.load %arg1[%get3A_2, %get3A_3, %get3A_4] : memref<2x1024x128xf32, #tpu.memory_space<vmem>>, vector<1x1024x128xf32>
    %get3A_6 = vector.shape_cast %get3A_5 : vector<1x1024x128xf32> to vector<1024x128xf32>
    %get3A_7 = arith.constant 1 : index
    %get3A_8 = arith.constant 0 : index
    %get3A_9 = arith.constant 0 : index
    %get3A_10 = vector.load %arg1[%get3A_7, %get3A_8, %get3A_9] : memref<2x1024x128xf32, #tpu.memory_space<vmem>>, vector<1x1024x128xf32>
    %get3A_11 = vector.shape_cast %get3A_10 : vector<1x1024x128xf32> to vector<1024x128xf32>
    %add3A = arith.addf %get3A_6, %get3A_11 : vector<1024x128xf32>
    %get3A_12 = arith.constant 0 : index
    %get3A_13 = arith.constant 0 : index
    %get3A_14 = vector.load %arg2[%get3A_12, %get3A_13] : memref<1024x128xf32, #tpu.memory_space<vmem>>, vector<1024x128xf32>
    %add3A_15 = arith.addf %add3A, %get3A_14 : vector<1024x128xf32>
    %mul3A = arith.mulf %get3A_1, %add3A_15 : vector<1024x128xf32>
    %get3A_16 = arith.constant 0 : index
    %get3A_17 = arith.constant 0 : index
    %get3A_18 = vector.load %arg4[%get3A_16, %get3A_17] : memref<1x128xf32, #tpu.memory_space<vmem>>, vector<1x128xf32>
    %add3A_19 = vector.broadcast %get3A_18 : vector<1x128xf32> to vector<1024x128xf32>
    %add3A_20 = arith.addf %mul3A, %add3A_19 : vector<1024x128xf32>
    %max3A = arith.constant 0.000000e+00 : f32
    %max3A_21 = vector.broadcast %max3A : f32 to vector<1024x128xf32>
    %max3A_22 = arith.maximumf %add3A_20, %max3A_21 : vector<1024x128xf32>
    %get3A_23 = arith.constant 0 : index
    %get3A_24 = arith.constant 0 : index
    %get3A_25 = vector.load %arg5[%get3A_23, %get3A_24] : memref<128x128xf32, #tpu.memory_space<vmem>>, vector<128x128xf32>
    %dot_general3A = arith.constant dense<0.000000e+00> : vector<1024x128xf32>
    %dot_general3A_26 = tpu.matmul %max3A_22, %get3A_25, %dot_general3A {dimension_numbers = #tpu.dot_dimension_numbers<[1], [0], [0], [1], [0, 0, 1, 1], [], []>, transpose_lhs_hint = false} : vector<1024x128xf32>, vector<128x128xf32>, vector<1024x128xf32> -> vector<1024x128xf32>
    %mul3A_27 = arith.constant 1024 : i32
    %mul3A_28 = arith.muli %arg0, %mul3A_27 : i32
    %iota3A = tpu.iota {dimensions = array<i32: 0>} : vector<1024x128xi32>
    %add3A_29 = vector.broadcast %mul3A_28 : i32 to vector<1024x128xi32>
    %add3A_30 = arith.addi %add3A_29, %iota3A : vector<1024x128xi32>
    %lt3A = arith.constant 10000 : i32
    %lt3A_31 = vector.broadcast %lt3A : i32 to vector<1024x128xi32>
    %lt3A_32 = arith.cmpi slt, %add3A_30, %lt3A_31 : vector<1024x128xi32>
    %mul3A_33 = arith.mulf %dot_general3A_26, %get3A_1 : vector<1024x128xf32>
    %jit3A = arith.constant 0.000000e+00 : f32
    %broadcast_in_dim3A = vector.broadcast %jit3A : f32 to vector<1024x128xf32>
    %select_n3A = arith.select %lt3A_32, %mul3A_33, %broadcast_in_dim3A : vector<1024x128xi1>, vector<1024x128xf32>
    %swap3A = arith.constant 0 : index
    %swap3A_34 = arith.constant 0 : index
    %swap3A_35 = vector.load %arg6[%swap3A, %swap3A_34] : memref<1024x128xf32, #tpu.memory_space<vmem>>, vector<1024x128xf32>
    tpu.vector_store %arg6[%swap3A, %swap3A_34], %select_n3A {strides = array<i32>} : memref<1024x128xf32, #tpu.memory_space<vmem>>, vector<1024x128xf32>,
    return
  }
  func.func @transform_0(%arg0: i32) -> (i32, i32, i32) {
    %c0_i32 = arith.constant 0 : i32
    %c0_i32_0 = arith.constant 0 : i32
    %c0_i32_1 = arith.constant 0 : i32
    return %c0_i32, %arg0, %c0_i32_0 : i32, i32, i32
  }
  func.func @transform_1(%arg0: i32) -> (i32, i32) {
    %c0_i32 = arith.constant 0 : i32
    %c0_i32_0 = arith.constant 0 : i32
    return %arg0, %c0_i32 : i32, i32
  }
  func.func @transform_2(%arg0: i32) -> (i32, i32) {
    %c0_i32 = arith.constant 0 : i32
    %c0_i32_0 = arith.constant 0 : i32
    return %arg0, %c0_i32 : i32, i32
  }
  func.func @transform_3(%arg0: i32) -> (i32, i32) {
    %c0_i32 = arith.constant 0 : i32
    %c0_i32_0 = arith.constant 0 : i32
    %c0_i32_1 = arith.constant 0 : i32
    return %c0_i32, %c0_i32_0 : i32, i32
  }
  func.func @transform_4(%arg0: i32) -> (i32, i32) {
    %c0_i32 = arith.constant 0 : i32
    %c0_i32_0 = arith.constant 0 : i32
    %c0_i32_1 = arith.constant 0 : i32
    return %c0_i32, %c0_i32_0 : i32, i32
  }
  func.func @transform_5(%arg0: i32) -> (i32, i32) {
    %c0_i32 = arith.constant 0 : i32
    %c0_i32_0 = arith.constant 0 : i32
    return %arg0, %c0_i32 : i32, i32
  }
}

module attributes {stable_mosaic.version = 14 : i64} {
  func.func @_tc_prep_body(%arg0: i32, %arg1: memref<1024x128xf32, #tpu.memory_space<vmem>>, %arg2: memref<1024x128xf32, #tpu.memory_space<vmem>>, %arg3: memref<1024x128xf32, #tpu.memory_space<vmem>>, %arg4: memref<128x128xf32, #tpu.memory_space<vmem>>, %arg5: memref<1024x128xf32, #tpu.memory_space<vmem>>, %arg6: memref<1024x128xf32, #tpu.memory_space<vmem>>) attributes {dimension_semantics = [#tpu.dimension_semantics<arbitrary>], iteration_bounds = array<i64: 10>, scalar_prefetch = 0 : i64, scratch_operands = 0 : i64, tpu.core_type = #tpu.core_type<tc>, window_params = [{transform_indices = @transform_0, window_bounds = array<i64: 1024, 128>}, {transform_indices = @transform_1, window_bounds = array<i64: 1024, 128>}, {transform_indices = @transform_2, window_bounds = array<i64: 1024, 128>}, {pipeline_mode = #tpu.pipeline_mode<synchronous>, transform_indices = @transform_3, window_bounds = array<i64: 128, 128>}, {transform_indices = @transform_4, window_bounds = array<i64: 1024, 128>}, {transform_indices = @transform_5, window_bounds = array<i64: 1024, 128>}]} {
    %get3A = arith.constant 0 : index
    %get3A_0 = arith.constant 0 : index
    %get3A_1 = vector.load %arg2[%get3A, %get3A_0] : memref<1024x128xf32, #tpu.memory_space<vmem>>, vector<1024x1xf32>
    %get3A_2 = arith.constant 0 : index
    %get3A_3 = arith.constant 0 : index
    %get3A_4 = vector.load %arg3[%get3A_2, %get3A_3] : memref<1024x128xf32, #tpu.memory_space<vmem>>, vector<1024x1xf32>
    %add3A = arith.addf %get3A_1, %get3A_4 : vector<1024x1xf32>
    %add3A_5 = arith.constant 1.000000e+00 : f32
    %add3A_6 = vector.broadcast %add3A_5 : f32 to vector<1024x1xf32>
    %add3A_7 = arith.addf %add3A, %add3A_6 : vector<1024x1xf32>
    %rsqrt3A = math.rsqrt %add3A_7 : vector<1024x1xf32>
    %broadcast_in_dim3A = vector.shape_cast %rsqrt3A : vector<1024x1xf32> to vector<1024x1xf32>
    %broadcast_in_dim3A_8 = vector.broadcast %broadcast_in_dim3A : vector<1024x1xf32> to vector<1024x128xf32>
    %get3A_9 = arith.constant 0 : index
    %get3A_10 = arith.constant 0 : index
    %get3A_11 = vector.load %arg1[%get3A_9, %get3A_10] : memref<1024x128xf32, #tpu.memory_space<vmem>>, vector<1024x128xf32>
    %get3A_12 = arith.constant 0 : index
    %get3A_13 = arith.constant 0 : index
    %get3A_14 = vector.load %arg4[%get3A_12, %get3A_13] : memref<128x128xf32, #tpu.memory_space<vmem>>, vector<128x128xf32>
    %dot_general3A = arith.constant dense<0.000000e+00> : vector<1024x128xf32>
    %dot_general3A_15 = tpu.matmul %get3A_11, %get3A_14, %dot_general3A {dimension_numbers = #tpu.dot_dimension_numbers<[1], [0], [0], [1], [0, 0, 1, 1], [], []>, transpose_lhs_hint = false} : vector<1024x128xf32>, vector<128x128xf32>, vector<1024x128xf32> -> vector<1024x128xf32>
    %mul3A = arith.constant 1024 : i32
    %mul3A_16 = arith.muli %arg0, %mul3A : i32
    %iota3A = tpu.iota {dimensions = array<i32: 0>} : vector<1024x128xi32>
    %add3A_17 = vector.broadcast %mul3A_16 : i32 to vector<1024x128xi32>
    %add3A_18 = arith.addi %add3A_17, %iota3A : vector<1024x128xi32>
    %lt3A = arith.constant 10000 : i32
    %lt3A_19 = vector.broadcast %lt3A : i32 to vector<1024x128xi32>
    %lt3A_20 = arith.cmpi slt, %add3A_18, %lt3A_19 : vector<1024x128xi32>
    %mul3A_21 = arith.mulf %dot_general3A_15, %broadcast_in_dim3A_8 : vector<1024x128xf32>
    %jit3A = arith.constant 0.000000e+00 : f32
    %broadcast_in_dim3A_22 = vector.broadcast %jit3A : f32 to vector<1024x128xf32>
    %select_n3A = arith.select %lt3A_20, %mul3A_21, %broadcast_in_dim3A_22 : vector<1024x128xi1>, vector<1024x128xf32>
    %swap3A = arith.constant 0 : index
    %swap3A_23 = arith.constant 0 : index
    %swap3A_24 = vector.load %arg5[%swap3A, %swap3A_23] : memref<1024x128xf32, #tpu.memory_space<vmem>>, vector<1024x128xf32>
    tpu.vector_store %arg5[%swap3A, %swap3A_23], %select_n3A {strides = array<i32>} : memref<1024x128xf32, #tpu.memory_space<vmem>>, vector<1024x128xf32>,
    %swap3A_25 = arith.constant 0 : index
    %swap3A_26 = arith.constant 0 : index
    %swap3A_27 = vector.load %arg6[%swap3A_25, %swap3A_26] : memref<1024x128xf32, #tpu.memory_space<vmem>>, vector<1024x128xf32>
    tpu.vector_store %arg6[%swap3A_25, %swap3A_26], %broadcast_in_dim3A_8 {strides = array<i32>} : memref<1024x128xf32, #tpu.memory_space<vmem>>, vector<1024x128xf32>,
    return
  }
  func.func @transform_0(%arg0: i32) -> (i32, i32) {
    %c0_i32 = arith.constant 0 : i32
    %c0_i32_0 = arith.constant 0 : i32
    return %arg0, %c0_i32 : i32, i32
  }
  func.func @transform_1(%arg0: i32) -> (i32, i32) {
    %c0_i32 = arith.constant 0 : i32
    %c0_i32_0 = arith.constant 0 : i32
    return %arg0, %c0_i32 : i32, i32
  }
  func.func @transform_2(%arg0: i32) -> (i32, i32) {
    %c0_i32 = arith.constant 0 : i32
    %c0_i32_0 = arith.constant 0 : i32
    return %arg0, %c0_i32 : i32, i32
  }
  func.func @transform_3(%arg0: i32) -> (i32, i32) {
    %c0_i32 = arith.constant 0 : i32
    %c0_i32_0 = arith.constant 0 : i32
    %c0_i32_1 = arith.constant 0 : i32
    return %c0_i32, %c0_i32_0 : i32, i32
  }
  func.func @transform_4(%arg0: i32) -> (i32, i32) {
    %c0_i32 = arith.constant 0 : i32
    %c0_i32_0 = arith.constant 0 : i32
    return %arg0, %c0_i32 : i32, i32
  }
  func.func @transform_5(%arg0: i32) -> (i32, i32) {
    %c0_i32 = arith.constant 0 : i32
    %c0_i32_0 = arith.constant 0 : i32
    return %arg0, %c0_i32 : i32, i32
  }
}

module attributes {stable_mosaic.version = 14 : i64} {
  func.func @_tc_pool_body(%arg0: i32, %arg1: memref<2x1024x128xf32, #tpu.memory_space<vmem>>, %arg2: memref<1024x128xf32, #tpu.memory_space<vmem>>, %arg3: memref<1024x128xf32, #tpu.memory_space<vmem>>, %arg4: memref<1x128xf32, #tpu.memory_space<vmem>>, %arg5: memref<1x1x1024xi32, #tpu.memory_space<vmem>>, %arg6: memref<64x128xf32, #tpu.memory_space<vmem>>) attributes {dimension_semantics = [#tpu.dimension_semantics<arbitrary>], iteration_bounds = array<i64: 10>, scalar_prefetch = 0 : i64, scratch_operands = 0 : i64, tpu.core_type = #tpu.core_type<tc>, window_params = [{transform_indices = @transform_0, window_bounds = array<i64: 2, 1024, 128>}, {transform_indices = @transform_1, window_bounds = array<i64: 1024, 128>}, {transform_indices = @transform_2, window_bounds = array<i64: 1024, 128>}, {pipeline_mode = #tpu.pipeline_mode<synchronous>, transform_indices = @transform_3, window_bounds = array<i64: 1, 128>}, {transform_indices = @transform_4, window_bounds = array<i64: 1, 1, 1024>}, {pipeline_mode = #tpu.pipeline_mode<synchronous>, transform_indices = @transform_5, window_bounds = array<i64: 64, 128>}]} {
    %get3A = arith.constant 0 : index
    %get3A_0 = arith.constant 0 : index
    %get3A_1 = vector.load %arg3[%get3A, %get3A_0] : memref<1024x128xf32, #tpu.memory_space<vmem>>, vector<1024x128xf32>
    %get3A_2 = arith.constant 0 : index
    %get3A_3 = arith.constant 0 : index
    %get3A_4 = arith.constant 0 : index
    %get3A_5 = vector.load %arg1[%get3A_2, %get3A_3, %get3A_4] : memref<2x1024x128xf32, #tpu.memory_space<vmem>>, vector<1x1024x128xf32>
    %get3A_6 = vector.shape_cast %get3A_5 : vector<1x1024x128xf32> to vector<1024x128xf32>
    %get3A_7 = arith.constant 1 : index
    %get3A_8 = arith.constant 0 : index
    %get3A_9 = arith.constant 0 : index
    %get3A_10 = vector.load %arg1[%get3A_7, %get3A_8, %get3A_9] : memref<2x1024x128xf32, #tpu.memory_space<vmem>>, vector<1x1024x128xf32>
    %get3A_11 = vector.shape_cast %get3A_10 : vector<1x1024x128xf32> to vector<1024x128xf32>
    %add3A = arith.addf %get3A_6, %get3A_11 : vector<1024x128xf32>
    %get3A_12 = arith.constant 0 : index
    %get3A_13 = arith.constant 0 : index
    %get3A_14 = vector.load %arg2[%get3A_12, %get3A_13] : memref<1024x128xf32, #tpu.memory_space<vmem>>, vector<1024x128xf32>
    %add3A_15 = arith.addf %add3A, %get3A_14 : vector<1024x128xf32>
    %mul3A = arith.mulf %get3A_1, %add3A_15 : vector<1024x128xf32>
    %get3A_16 = arith.constant 0 : index
    %get3A_17 = arith.constant 0 : index
    %get3A_18 = vector.load %arg4[%get3A_16, %get3A_17] : memref<1x128xf32, #tpu.memory_space<vmem>>, vector<1x128xf32>
    %add3A_19 = vector.broadcast %get3A_18 : vector<1x128xf32> to vector<1024x128xf32>
    %add3A_20 = arith.addf %mul3A, %add3A_19 : vector<1024x128xf32>
    %get3A_21 = arith.constant 0 : index
    %get3A_22 = arith.constant 0 : index
    %get3A_23 = arith.constant 0 : index
    %get3A_24 = vector.load %arg5[%get3A_21, %get3A_22, %get3A_23] : memref<1x1x1024xi32, #tpu.memory_space<vmem>>, vector<1x1x1024xi32>
    %get3A_25 = vector.shape_cast %get3A_24 : vector<1x1x1024xi32> to vector<1x1024xi32>
    %iota3A = tpu.iota {dimensions = array<i32: 0>} : vector<64x1024xi32>
    %broadcast_in_dim3A = vector.shape_cast %get3A_25 : vector<1x1024xi32> to vector<1x1024xi32>
    %broadcast_in_dim3A_26 = vector.broadcast %broadcast_in_dim3A : vector<1x1024xi32> to vector<64x1024xi32>
    %eq3A = arith.cmpi eq, %iota3A, %broadcast_in_dim3A_26 : vector<64x1024xi32>
    %convert_element_type3A = arith.extui %eq3A : vector<64x1024xi1> to vector<64x1024xi32>
    %convert_element_type3A_27 = arith.sitofp %convert_element_type3A : vector<64x1024xi32> to vector<64x1024xf32>
    %dot_general3A = arith.constant dense<0.000000e+00> : vector<64x128xf32>
    %dot_general3A_28 = tpu.matmul %convert_element_type3A_27, %add3A_20, %dot_general3A {dimension_numbers = #tpu.dot_dimension_numbers<[1], [0], [0], [1], [0, 0, 1, 1], [], []>, transpose_lhs_hint = false} : vector<64x1024xf32>, vector<1024x128xf32>, vector<64x128xf32> -> vector<64x128xf32>
    %eq3A_29 = arith.constant 0 : i32
    %eq3A_30 = arith.cmpi eq, %arg0, %eq3A_29 : i32
    %convert_element_type3A_31 = arith.extui %eq3A_30 : i1 to i32
    %cond3A = arith.constant 0 : i32
    %cond3A_32 = arith.cmpi ne, %convert_element_type3A_31, %cond3A : i32
    scf.if %cond3A_32 {
      %swap3A = arith.constant 0 : index
      %swap3A_37 = arith.constant 0 : index
      %swap3A_38 = vector.load %arg6[%swap3A, %swap3A_37] : memref<64x128xf32, #tpu.memory_space<vmem>>, vector<64x128xf32>
      tpu.vector_store %arg6[%swap3A, %swap3A_37], %dot_general3A_28 {strides = array<i32>} : memref<64x128xf32, #tpu.memory_space<vmem>>, vector<64x128xf32>,
    } else {
    }
    %gt3A = arith.constant 0 : i32
    %gt3A_33 = arith.cmpi sgt, %arg0, %gt3A : i32
    %convert_element_type3A_34 = arith.extui %gt3A_33 : i1 to i32
    %cond3A_35 = arith.constant 0 : i32
    %cond3A_36 = arith.cmpi ne, %convert_element_type3A_34, %cond3A_35 : i32
    scf.if %cond3A_36 {
      %get3A_37 = arith.constant 0 : index
      %get3A_38 = arith.constant 0 : index
      %get3A_39 = vector.load %arg6[%get3A_37, %get3A_38] : memref<64x128xf32, #tpu.memory_space<vmem>>, vector<64x128xf32>
      %add3A_40 = arith.addf %get3A_39, %dot_general3A_28 : vector<64x128xf32>
      %swap3A = arith.constant 0 : index
      %swap3A_41 = arith.constant 0 : index
      %swap3A_42 = vector.load %arg6[%swap3A, %swap3A_41] : memref<64x128xf32, #tpu.memory_space<vmem>>, vector<64x128xf32>
      tpu.vector_store %arg6[%swap3A, %swap3A_41], %add3A_40 {strides = array<i32>} : memref<64x128xf32, #tpu.memory_space<vmem>>, vector<64x128xf32>,
    } else {
    }
    return
  }
  func.func @transform_0(%arg0: i32) -> (i32, i32, i32) {
    %c0_i32 = arith.constant 0 : i32
    %c0_i32_0 = arith.constant 0 : i32
    %c0_i32_1 = arith.constant 0 : i32
    return %c0_i32, %arg0, %c0_i32_0 : i32, i32, i32
  }
  func.func @transform_1(%arg0: i32) -> (i32, i32) {
    %c0_i32 = arith.constant 0 : i32
    %c0_i32_0 = arith.constant 0 : i32
    return %arg0, %c0_i32 : i32, i32
  }
  func.func @transform_2(%arg0: i32) -> (i32, i32) {
    %c0_i32 = arith.constant 0 : i32
    %c0_i32_0 = arith.constant 0 : i32
    return %arg0, %c0_i32 : i32, i32
  }
  func.func @transform_3(%arg0: i32) -> (i32, i32) {
    %c0_i32 = arith.constant 0 : i32
    %c0_i32_0 = arith.constant 0 : i32
    %c0_i32_1 = arith.constant 0 : i32
    return %c0_i32, %c0_i32_0 : i32, i32
  }
  func.func @transform_4(%arg0: i32) -> (i32, i32, i32) {
    %c0_i32 = arith.constant 0 : i32
    %c0_i32_0 = arith.constant 0 : i32
    %c0_i32_1 = arith.constant 0 : i32
    return %arg0, %c0_i32, %c0_i32_0 : i32, i32, i32
  }
  func.func @transform_5(%arg0: i32) -> (i32, i32) {
    %c0_i32 = arith.constant 0 : i32
    %c0_i32_0 = arith.constant 0 : i32
    %c0_i32_1 = arith.constant 0 : i32
    return %c0_i32, %c0_i32_0 : i32, i32
  }
}

</mosaic_0001>

<sc_bundles>
// kernel: gnn_sc_conv.4.cloned.1.call-start
scs
__scs_entry_jumppad:
0x0: {  	(pc) =	sbr.rel $0x88, $3  }
0x1: {  	(tag) =	ssettag $0x0;
	lr =	simm.s32 $0x1  }
0x2: {  	[smem:$0x3F99] =	sst lr;
	_ =	strace $0xD0000000  }
0x3: {  	_ = 	snop  }
0x4: {  	_ = 	snop  }
0x5: {  	_ = 	snop  }
0x6: {  	_ = 	snop  }
0x7: {  	_ = 	snop  }
__scs_overlays_trampoline_lowered:
0x8: {  	[smem:$0x3FA8] =	sst s0  }
0x9: {  	[smem:$0x3FA9] =	sst s1  }
0xa: {  	[smem:$0x3FAA] =	sst s2  }
0xb: {  	[smem:$0x3FAB] =	sst s3  }
0xc: {  	[smem:$0x3FAC] =	sst s4  }
0xd: {  	[smem:$0x3FAD] =	sst s5  }
0xe: {  	[smem:$0x3FAE] =	sst s6  }
0xf: {  	[smem:$0x3FAF] =	sst s7  }
0x10: {  	[smem:$0x3FB0] =	sst s8  }
0x11: {  	[smem:$0x3FB1] =	sst s9;
	s0 =	simm.s32 @!p0 $0x0  }
0x12: {  	s1 =	sld [smem:$0x3F97];
	s0 =	simm.s32 @p0 $0x1  }
0x13: {  	[smem:$0x3FB2] =	sst s0;
	s0 =	simm.s32 @!p1 $0x0  }
0x14: {  	s2 =	sld [smem:$0x3F96];
	s0 =	simm.s32 @p1 $0x1  }
0x15: {  	[smem:$0x3FB3] =	sst s0;
	s0 =	simm.s32 @!p2 $0x0  }
0x16: {  	s3 =	sld [smem:$0x3FDB];
	s0 =	simm.s32 @p2 $0x1  }
0x17: {  	s4 =	simm.s32 $0x1BF5;
	[smem:$0x3FB5] =	sst s0  }
0x18: {  	s0 =	sld [smem:$0x3F98];
	_ =	swait.ge [sflag:s4], $0x0  }
0x19: {  	s7 =	sld [smem:$0x3F99]  }
0x1a: {  	s8 =	sadd.s32 $0xFFFFE003, lr  }
0x1b: {  	s9 =	sadd.s32 $0xFFFFFEF7, lr;
	s5 =	simm.s32 $0xFFFFFFFF;
	p2 =	slt.u32 s8, $0xFFFFF086  }
0x1c: {  	p1 =	slt.u32 s9, $0xF7A;
	s5 =	simm.s32 @!p2 $0x0  }
0x1d: {  	s5 =	simm.s32 @p1 $0x1;
	p0 =	seq.s32 s7, s2  }
0x1e: {  	s7 =	smul.u32 @!p0 $0xF7A, s2;
	p2 =	seq.s32 @!p0 s5, $0x0  }
0x1f: {  	s9 =	smul.u32 $0xF7A, s1;
	s8 =	simm.s32 @!p0 $0x1BF5;
	p2 =	por !p2, p0  }
0x20: {  	[sflag:s8] =	ssyncset.s32 @!p0 $0xFFFFF086;
	s6 =	sadd.s32 @!p0 s3, s7;
	s7 =	simm.s32 @!p0 $0x108  }
0x21: {  	s3 =	sadd.s32 s3, s9;
	s6 =	sadd.s32 @!p0 $0x88, s6;
	s7 =	simm.s32 @p2 $0x1082  }
0x22: {  	[simem:s7], [sflag:s8] =	dma.local @!p0 [hbm:s6], $0xF7A  }
0x23: {  	s9 =	sor.u32 $0xD0000000, s2;
	s6 =	simm.s32 $0x108;
	_ =	swait.ge @!p0 [sflag:s8], $0x0  }
0x24: {  	s3 =	sadd.s32 $0x88, s3;
	s6 =	simm.s32 @!p1 $0x1082;
	[sflag:s4] =	ssyncset.s32 $0xFFFFF086  }
0x25: {  	[simem:s6], [sflag:s4] =	dma.local [hbm:s3], $0xF7A  }
0x26: {  	[smem:$0x3F99] =	sst s1;
	(tag) =	ssettag s2;
	_ =	strace s9  }
0x27: {  	s1 =	sld [smem:$0x3FA9]  }
0x28: {  	s2 =	sld [smem:$0x3FAA]  }
0x29: {  	s4 =	sld [smem:$0x3FAC]  }
0x2a: {  	p0 =	seq.s32 s5, $0x0;
	s5 =	sld [smem:$0x3FAD]  }
0x2b: {  	s6 =	sld [smem:$0x3FAE]  }
0x2c: {  	s7 =	sld [smem:$0x3FAF]  }
0x2d: {  	s3 =	simm.s32 $0x108;
	s8 =	sld [smem:$0x3FB0]  }
0x2e: {  	s3 =	simm.s32 @!p0 $0x1082;
	s9 =	sld [smem:$0x3FB1]  }
0x2f: {  	lr =	sadd.s32 s0, s3;
	s0 =	sld [smem:$0x3FA8]  }
0x30: {  	s3 =	sld [smem:$0x3FAB]  }
0x31: {  	[smem:$0x3FB4] =	sst s10  }
0x32: {  	s10 =	sld [smem:$0x3FB2];
	_ =	sdelay $0x3  }
0x33: {  	p0 =	seq.s32 s10, $0x1;
	s10 =	sld [smem:$0x3FB4];
	_ =	sdelay $0x3  }
0x34: {  	[smem:$0x3FB4] =	sst s10  }
0x35: {  	s10 =	sld [smem:$0x3FB3];
	_ =	sdelay $0x3  }
0x36: {  	p1 =	seq.s32 s10, $0x1;
	s10 =	sld [smem:$0x3FB4];
	_ =	sdelay $0x3  }
0x37: {  	[smem:$0x3FB4] =	sst s10  }
0x38: {  	s10 =	sld [smem:$0x3FB5]  }
0x39: {  	_ = 	snop;
	(pc) =	sbr.ind lr, $3  }
0x3a: {  	_ = 	snop  }
0x3b: {  	_ = 	snop  }
0x3c: {  	p2 =	seq.s32 s10, $0x1;
	s10 =	sld [smem:$0x3FB4]  }
0x3d: {  	_ =	shalt  }
0x3e: {  	_ =	shalt  }
0x3f: {  	_ =	shalt  }
0x40: {  	_ =	shalt  }
0x41: {  	_ =	shalt  }
0x42: {  	_ =	shalt  }
0x43: {  	_ =	shalt  }
0x44: {  	_ =	shalt  }
0x45: {  	_ =	shalt  }
0x46: {  	_ =	shalt  }
0x47: {  	_ =	shalt  }
0x48: {  	_ =	shalt  }
0x49: {  	_ =	shalt  }
0x4a: {  	_ =	shalt  }
0x4b: {  	_ =	shalt  }
0x4c: {  	_ =	shalt  }
0x4d: {  	_ =	shalt  }
0x4e: {  	_ =	shalt  }
0x4f: {  	_ =	shalt  }
0x50: {  	_ =	shalt  }
0x51: {  	_ =	shalt  }
0x52: {  	_ =	shalt  }
0x53: {  	_ =	shalt  }
0x54: {  	_ =	shalt  }
0x55: {  	_ =	shalt  }
0x56: {  	_ =	shalt  }
0x57: {  	_ =	shalt  }
0x58: {  	_ =	shalt  }
0x59: {  	_ =	shalt  }
0x5a: {  	_ =	shalt  }
0x5b: {  	_ =	shalt  }
0x5c: {  	_ =	shalt  }
0x5d: {  	_ =	shalt  }
0x5e: {  	_ =	shalt  }
0x5f: {  	_ =	shalt  }
0x60: {  	_ =	shalt  }
0x61: {  	_ =	shalt  }
0x62: {  	_ =	shalt  }
0x63: {  	_ =	shalt  }
0x64: {  	_ =	shalt  }
0x65: {  	_ =	shalt  }
0x66: {  	_ =	shalt  }
0x67: {  	_ =	shalt  }
0x68: {  	_ =	shalt  }
0x69: {  	_ =	shalt  }
0x6a: {  	_ =	shalt  }
0x6b: {  	_ =	shalt  }
0x6c: {  	_ =	shalt  }
0x6d: {  	_ =	shalt  }
0x6e: {  	_ =	shalt  }
0x6f: {  	_ =	shalt  }
0x70: {  	_ =	shalt  }
0x71: {  	_ =	shalt  }
0x72: {  	_ =	shalt  }
0x73: {  	_ =	shalt  }
0x74: {  	_ =	shalt  }
0x75: {  	_ =	shalt  }
0x76: {  	_ =	shalt  }
0x77: {  	_ =	shalt  }
0x78: {  	_ =	shalt  }
0x79: {  	_ =	shalt  }
0x7a: {  	_ =	shalt  }
0x7b: {  	_ =	shalt  }
0x7c: {  	_ =	shalt  }
0x7d: {  	_ =	shalt  }
0x7e: {  	_ =	shalt  }
0x7f: {  	_ =	shalt  }
0x80: {  	_ =	shalt  }
0x81: {  	_ =	shalt  }
0x82: {  	_ =	shalt  }
0x83: {  	_ =	shalt  }
0x84: {  	_ =	shalt  }
0x85: {  	_ =	shalt  }
0x86: {  	_ =	shalt  }
0x87: {  	_ =	shalt  }
.Lfunc_end0:
.L_simem_size_0:
called_computation.1_lowered:
.L_overlay_start_0:
0x88: {  	s2 =	sld [smem:$0x3FD9]  }
0x89: {  	s3 =	sld [smem:$0x3FFE];
	_ =	sdelay $0x1  }
0x8a: {  	s1 =	srdreg.scid  }
0x8b: {  	s0 =	sand.u32 $0x1, s1  }
0x8c: {  	s16 =	sshll.u32 s0, $0xA;
	s2 =	sadd.s32 s3, s2  }
0x8d: {  	s2 =	sadd.s32 s2, s16  }
0x8e: {  	[smem:$0x3FC0] =	sst s2  }
0x8f: {  	_ = 	snop  }
0x90: {  	(tm) =	ssettm $0x1  }
0x91: {  	s17 =	sld [smem:$0x3FFB];
	_ =	sdelay $0x3  }
0x92: {  	_ =	strace s17  }
0x93: {  	s2 =	sld [smem:$0x3FFC];
	_ =	sdelay $0x3  }
0x94: {  	_ =	strace s2  }
0x95: {  	s2 =	sld [smem:$0x3FFD];
	_ =	sdelay $0x3  }
0x96: {  	_ =	strace s2  }
0x97: {  	_ =	strace $0x8FFFFFFF  }
0x98: {  	s18 =	sld [smem:$0x3FDB];
	_ =	sdelay $0x1  }
0x99: {  	s19 =	simm.s32 $_scs_section_size  }
0x9a: {  	s4 =	simm.s32 $_size__tile_overlayer_lowered;
	s5 =	simm.s32 $_tile_overlayer_lowered  }
0x9b: {  	s22 =	simm.s32 $0x1BFF;
	s21 =	sshll.u32 s5, $0x1;
	s2 =	sadd.s32 s19, s18  }
0x9c: {  	s6 =	simm.s32 $0x0;
	s20 =	sshll.u32 s4, $0x1;
	s4 =	sadd.s32 s21, s2  }
0x9d: {  	[timem:s6], [sflag:s22] =	dma.local [hbm:s4], s20  }
0x9e: {  	_ =	swait.ge [sflag:s22], s20  }
0x9f: {  	s3 =	ssub.s32 $0x0, s20;
	[sflag:s22] =	ssyncset.done $0x0  }
0xa0: {  	[sflag:s22] =	ssyncadd.s32 s3;
	_ =	sdelay $0x1  }
0xa1: {  	s23 =	simm.s32 $0x1B8B  }
0xa2: {  	_ =	swait.ge [sflag:s23], $0x1  }
0xa3: {  	[sflag:s23] =	ssyncset.done $0x0  }
0xa4: {  	s25 =	simm.s32 $0x1B8E;
	s24 =	sld [smem:$0x3FFE];
	[sflag:s23] =	ssyncadd.s32 $0xFFFFFFFF  }
0xa5: {  	s26 =	simm.s32 $execute0_lowered;
	[smem:$0x3FD2] =	sst s25  }
0xa6: {  	s4 =	sshll.u32 s26, $0x1;
	_ =	strace $0x80000049;
	[dreg:$0x1] =	wrdreg $0xFFFFFFFF  }
0xa7: {  	s28 =	simm.s32 $_size_execute0_lowered;
	s2 =	sadd.s32 s2, s4;
	[dreg:$0x0] =	wrdreg $0x0  }
0xa8: {  	s4 =	sshll.u32 s28, $0x1;
	[dreg:$0x2] =	wrdreg s2  }
0xa9: {  	[dreg:$0x3] =	wrdreg s4  }
0xaa: {  	[dreg:$0x4] =	wrdreg $0xC0  }
0xab: {  	_ =	task [dreg:s6], $0x5FFFF  }
0xac: {  	[dreg:$0x1] =	wrdreg $0xFFFFFFFF  }
0xad: {  	[dreg:$0x0] =	wrdreg $0x60  }
0xae: {  	[dreg:$0x2] =	wrdreg s24  }
0xaf: {  	[dreg:$0x3] =	wrdreg $0xA8000  }
0xb0: {  	[dreg:$0x4] =	wrdreg $0x9  }
0xb1: {  	_ =	task.clear_ibuf [dreg:s6], $0x5FFFF;
	_ =	strace $0x90000049  }
0xb2: {  	s29 =	simm.s32 $0x9;
	_ =	strace $0x8000004B  }
0xb3: {  	_ =	swait.ge [sflag:s29], $0x1  }
0xb4: {  	[sflag:s29] =	ssyncadd.s32 $0xFFFFFFFF  }
0xb5: {  	_ =	strace $0x9000004B  }
0xb6: {  	_ =	sfence  }
0xb7: {  	s30 =	sld [smem:$0x0];
	_ =	sdelay $0x2  }
0xb8: {  	s31 =	sshll.u32 s1, $0xD;
	s1 =	sshrl.u32 s1, $0x2  }
0xb9: {  	s3 =	sand.u32 $0x4000, s31;
	s1 =	sadd.s32 s1, s30  }
0xba: {  	s0 =	sor.u32 s3, s0;
	s1 =	sshll.u32 s1, $0x11  }
0xbb: {  	s0 =	sor.u32 s1, s0  }
0xbc: {  	s0 =	sadd.s32 $0x8F2B, s0  }
0xbd: {  	[sflag:s0] =	ssyncadd.remote.s32 $0x1  }
0xbe: {  	_ =	sfence.sel $0xFFFF  }
0xbf: {  	[dreg:$0x0] =	wrdreg $0xFFFFFFFF;
	(pc) =	sbr.abs _section_cstart, $3  }
0xc0: {  	[dreg:$0x1] =	wrdreg $0xFFFFFFFF  }
0xc1: {  	_ =	task.clear_ibuf [dreg:s6], $0x2FFFF;
	_ =	strace $0x9FFFFFFF  }
0xc2: {  	(tm) =	ssettm $0x7FFFFFFF  }
0xc3: {  	_ =	shalt  }
tec
execute0_lowered:
.L_overlay_start_1:
0x0: {  	(tag) =	ssettag $0x1  }
0x1: {  	s5 =	rddreg [dreg:$0x0]  }
0x2: {  	s2 =	rddreg [dreg:$0x1]  }
0x3: {  	s0 =	rddreg [dreg:$0x2];
	s3 =	simm.s32 $0x0;
	s1 =	stileid.u32  }
0x4: {  	s4 =	srdreg.scid;
	s15 =	simm.s32 $0x1400;
	s16 =	simm.s32 $0x80  }
0x5: {  	s17 =	simm.s32 $0x2800;
	s18 =	simm.s32 $0x6800;
	s19 =	simm.s32 $0x1  }
0x6: {  	s20 =	simm.s32 $0x2;
	s21 =	simm.s32 $0x1380;
	s22 =	simm.s32 $0x2700  }
0x7: {  	[smem:$0x7FF] =	sst s3;
	s6 =	smul.u32 $0x14000, s1;
	s7 =	sand.u32 $0x1, s4  }
0x8: {  	s4 =	sadd.s32 $0x41800, s5;
	s11 =	sadd.s32 $0x5000, s5;
	s12 =	sadd.s32 $0xF000, s5  }
0x9: {  	s10 =	smul.u32 $0x50000, s1;
	s25 =	sshll.u32 s1, $0x1;
	s29 =	sshll.u32 s1, $0x6  }
0xa: {  	_ =	strace $0x8000004A;
	s8 =	smul.u32 $0x140000, s7;
	s23 =	ssub.s32 $0x2, s7  }
0xb: {  	s26 =	sor.u32 s7, s25;
	s9 =	sshrl.u32 s6, $0x3;
	s24 =	sshrl.u32 s23, $0x1  }
0xc: {  	s28 =	sshrl.u32 s10, $0x2;
	s30 =	smul.u32 $0x500, s26;
	s9 =	sadd.s32 s9, s5  }
0xd: {  	s6 =	sadd.s32 s6, s8;
	s8 =	ssub.s32 s23, s24;
	s14 =	sadd.s32 s28, s2  }
0xe: {  	s23 =	simm.s32 $0x2780;
	s24 =	simm.s32 $0x0;
	s6 =	sshrl.u32 s6, $0x3  }
0xf: {  	s8 =	smax.u32 s8, $0x1;
	s31 =	sadd.s32 $0x280, s30;
	s10 =	sadd.s32 s12, s30  }
0x10: {  	s13 =	sadd.s32 s6, s5;
	s5 =	sadd.s32 $0x19800, s9;
	s6 =	sor.u32 $0x1C03, s29  }
0x11: {  	s9 =	sadd.s32 s11, s30;
	s11 =	sadd.s32 s11, s31;
	s12 =	sadd.s32 s12, s31  }
0x12: {  	s7 =	sadd.s32 $0x69800, s13;
	s13 =	sshrl.u32 s14, $0x3;
	s14 =	simm.s32 $0x3  }
.LBB2_1:
0x13: {  	[spmem:s13], [sflag:s6] =	dma.local [hbm:s5], $0x2800  }
0x14: {  	_ =	swait.ge [sflag:s14], $0x2800  }
0x15: {  	[sflag:s14] =	ssyncset.done $0x0  }
0x16: {  	[sflag:s14] =	ssyncadd.s32 $0xFFFFD800  }
0x17: {  	[bflag:$0x0] =	sbarrier.arrive $0xFFFF  }
0x18: {  	[tilespmem:s3], [sflag:$0x3] =	stream.linear.gather [hbm4b:s9+s3], $0x1400, $0x38;
	[tilespmem:$0x1E800] =	vst v63  }
0x19: {  	_ =	swait.ge [sflag:s14], $0x1400  }
0x1a: {  	[sflag:s14] =	ssyncset.done $0x0  }
0x1b: {  	[sflag:s14] =	ssyncadd.s32 $0xFFFFEC00  }
0x1c: {  	[tilespmem:s15], [sflag:$0x3] =	stream.linear.gather [hbm4b:s10+s3], $0x1400, $0x38;
	[tilespmem:$0x1E800] =	vst v63  }
0x1d: {  	_ =	swait.ge [sflag:s14], $0x1400  }
0x1e: {  	[sflag:s14] =	ssyncset.done $0x0  }
0x1f: {  	[sflag:s14] =	ssyncadd.s32 $0xFFFFEC00  }
0x20: {  	[tilespmem:s17], [sflag:$0x1] =	stream.indirect.gather [hbm4b:s4+s16], $0x80, s3, s16, $0xb8;
	[tilespmem:$0x1E800] =	vst v63  }
0x21: {  	s25 =	simm.s32 $0x80  }
0x22: {  	[tilespmem:s18], [sflag:$0x2] =	stream.indirect.gather [hbm4b:s4+s16], $0x80, s25, s16, $0xb8;
	[tilespmem:$0x1E800] =	vst v63  }
0x23: {  	_ =	swait.ge [sflag:s19], $0x4000  }
0x24: {  	[sflag:s19] =	ssyncset.done $0x0  }
0x25: {  	s29 =	simm.s32 $0x1400;
	[sflag:s19] =	ssyncadd.s32 $0xFFFFC000  }
0x26: {  	[spmem:s2] =	stream.indirect.scatter.add.f32 [tilespmem:s17], [sflag:$0x3], $0x80, s29, s16, $0xb8;
	[tilespmem:$0x1E800] =	vst v63  }
0x27: {  	_ =	swait.ge [sflag:s14], $0x4000  }
0x28: {  	[sflag:s14] =	ssyncset.done $0x0  }
0x29: {  	s30 =	simm.s32 $0x100;
	[sflag:s14] =	ssyncadd.s32 $0xFFFFC000  }
0x2a: {  	[tilespmem:s17], [sflag:$0x1] =	stream.indirect.gather [hbm4b:s4+s16], $0x80, s30, s16, $0xb8;
	[tilespmem:$0x1E800] =	vst v63  }
0x2b: {  	_ =	swait.ge [sflag:s20], $0x4000  }
0x2c: {  	[sflag:s20] =	ssyncset.done $0x0  }
0x2d: {  	s31 =	simm.s32 $0x1480;
	[sflag:s20] =	ssyncadd.s32 $0xFFFFC000  }
0x2e: {  	[spmem:s2] =	stream.indirect.scatter.add.f32 [tilespmem:s18], [sflag:$0x3], $0x80, s31, s16, $0xb8;
	[tilespmem:$0x1E800] =	vst v63  }
0x2f: {  	_ =	swait.ge [sflag:s14], $0x4000  }
0x30: {  	s26 =	simm.s32 $0x800;
	s25 =	simm.s32 $0x100;
	[sflag:s14] =	ssyncset.done $0x0  }
.LBB2_2:
0x31: {  	s28 =	sadd.s32 $0x80, s25  }
0x32: {  	[sflag:s14] =	ssyncadd.s32 $0xFFFFC000;
	s29 =	smov.u32 s26;
	s30 =	sadd.s32 $0x400, s26  }
0x33: {  	[tilespmem:s18], [sflag:$0x2] =	stream.indirect.gather [hbm4b:s4+s16], $0x80, s28, s16, $0xb8;
	[tilespmem:$0x1E800] =	vst v63  }
0x34: {  	p0 =	sne.s32 s26, $0x4800;
	_ =	swait.ge [sflag:s19], $0x4000  }
0x35: {  	[sflag:s19] =	ssyncset.done $0x0  }
0x36: {  	s26 =	sadd.s32 $0x1400, s25;
	[sflag:s19] =	ssyncadd.s32 $0xFFFFC000  }
0x37: {  	[spmem:s2] =	stream.indirect.scatter.add.f32 [tilespmem:s17], [sflag:$0x3], $0x80, s26, s16, $0xb8;
	[tilespmem:$0x1E800] =	vst v63  }
0x38: {  	_ =	swait.ge [sflag:s14], $0x4000  }
0x39: {  	[sflag:s14] =	ssyncset.done $0x0  }
0x3a: {  	s26 =	sadd.s32 $0x100, s25;
	[sflag:s14] =	ssyncadd.s32 $0xFFFFC000  }
0x3b: {  	[tilespmem:s17], [sflag:$0x1] =	stream.indirect.gather [hbm4b:s4+s16], $0x80, s26, s16, $0xb8;
	[tilespmem:$0x1E800] =	vst v63  }
0x3c: {  	_ =	swait.ge [sflag:s20], $0x4000  }
.Ltmp0:
0x3d: {  	[sflag:s20] =	ssyncset.done $0x0;
	(pc) =	sbr.rel @p0 .LBB2_2-.Ltmp0, $4  }
0x3e: {  	s25 =	sadd.s32 $0x1480, s25;
	[sflag:s20] =	ssyncadd.s32 $0xFFFFC000  }
0x3f: {  	[spmem:s2] =	stream.indirect.scatter.add.f32 [tilespmem:s18], [sflag:$0x3], $0x80, s25, s16, $0xb8;
	[tilespmem:$0x1E800] =	vst v63  }
0x40: {  	_ =	swait.ge [sflag:s14], $0x4000  }
0x41: {  	s26 =	smov.u32 s30;
	s25 =	sshra.s32 s29, $0x2;
	[sflag:s14] =	ssyncset.done $0x0  }
0x42: {  	s26 =	sadd.s32 $0x80, s25;
	[sflag:s14] =	ssyncadd.s32 $0xFFFFC000  }
0x43: {  	[tilespmem:s18], [sflag:$0x2] =	stream.indirect.gather [hbm4b:s4+s16], $0x80, s26, s16, $0xb8;
	[tilespmem:$0x1E800] =	vst v63  }
0x44: {  	_ =	swait.ge [sflag:s19], $0x4000  }
0x45: {  	[sflag:s19] =	ssyncset.done $0x0  }
0x46: {  	s29 =	sadd.s32 $0x1400, s25;
	[sflag:s19] =	ssyncadd.s32 $0xFFFFC000  }
0x47: {  	[spmem:s2] =	stream.indirect.scatter.add.f32 [tilespmem:s17], [sflag:$0x3], $0x80, s29, s16, $0xb8;
	[tilespmem:$0x1E800] =	vst v63  }
0x48: {  	_ =	swait.ge [sflag:s14], $0x4000  }
0x49: {  	[sflag:s14] =	ssyncset.done $0x0  }
0x4a: {  	s30 =	sadd.s32 $0x100, s25;
	[sflag:s14] =	ssyncadd.s32 $0xFFFFC000  }
0x4b: {  	[tilespmem:s17], [sflag:$0x1] =	stream.indirect.gather [hbm4b:s4+s16], $0x80, s30, s16, $0xb8;
	[tilespmem:$0x1E800] =	vst v63  }
0x4c: {  	_ =	swait.ge [sflag:s20], $0x4000  }
0x4d: {  	[sflag:s20] =	ssyncset.done $0x0  }
0x4e: {  	s31 =	sadd.s32 $0x1480, s25;
	[sflag:s20] =	ssyncadd.s32 $0xFFFFC000  }
0x4f: {  	[spmem:s2] =	stream.indirect.scatter.add.f32 [tilespmem:s18], [sflag:$0x3], $0x80, s31, s16, $0xb8;
	[tilespmem:$0x1E800] =	vst v63  }
0x50: {  	_ =	swait.ge [sflag:s14], $0x4000  }
0x51: {  	[sflag:s14] =	ssyncset.done $0x0  }
0x52: {  	[sflag:s14] =	ssyncadd.s32 $0xFFFFC000  }
0x53: {  	[tilespmem:s18], [sflag:$0x2] =	stream.indirect.gather [hbm4b:s4+s16], $0x80, s21, s16, $0xb8;
	[tilespmem:$0x1E800] =	vst v63  }
0x54: {  	_ =	swait.ge [sflag:s19], $0x4000  }
0x55: {  	[sflag:s19] =	ssyncset.done $0x0  }
0x56: {  	[sflag:s19] =	ssyncadd.s32 $0xFFFFC000  }
0x57: {  	[spmem:s2] =	stream.indirect.scatter.add.f32 [tilespmem:s17], [sflag:$0x3], $0x80, s22, s16, $0xb8;
	[tilespmem:$0x1E800] =	vst v63  }
0x58: {  	_ =	swait.ge [sflag:s14], $0x4000  }
0x59: {  	[sflag:s14] =	ssyncset.done $0x0  }
0x5a: {  	[sflag:s14] =	ssyncadd.s32 $0xFFFFC000  }
0x5b: {  	_ =	swait.ge [sflag:s20], $0x4000  }
0x5c: {  	[sflag:s20] =	ssyncset.done $0x0  }
0x5d: {  	[sflag:s20] =	ssyncadd.s32 $0xFFFFC000  }
0x5e: {  	[spmem:s2] =	stream.indirect.scatter.add.f32 [tilespmem:s18], [sflag:$0x3], $0x80, s23, s16, $0xb8;
	[tilespmem:$0x1E800] =	vst v63  }
0x5f: {  	_ =	swait.ge [sflag:s14], $0x4000  }
0x60: {  	[sflag:s14] =	ssyncset.done $0x0  }
0x61: {  	s26 =	simm.s32 $0x0;
	[sflag:s14] =	ssyncadd.s32 $0xFFFFC000  }
0x62: {  	[tilespmem:s26], [sflag:$0x3] =	stream.linear.gather [hbm4b:s11+s26], $0x1400, $0x38;
	[tilespmem:$0x1E800] =	vst v63  }
0x63: {  	_ =	swait.ge [sflag:s14], $0x1400  }
0x64: {  	[sflag:s14] =	ssyncset.done $0x0  }
0x65: {  	[sflag:s14] =	ssyncadd.s32 $0xFFFFEC00  }
0x66: {  	[tilespmem:s15], [sflag:$0x3] =	stream.linear.gather [hbm4b:s12+s26], $0x1400, $0x38;
	[tilespmem:$0x1E800] =	vst v63  }
0x67: {  	_ =	swait.ge [sflag:s14], $0x1400  }
0x68: {  	[sflag:s14] =	ssyncset.done $0x0  }
0x69: {  	[sflag:s14] =	ssyncadd.s32 $0xFFFFEC00  }
0x6a: {  	[tilespmem:s17], [sflag:$0x1] =	stream.indirect.gather [hbm4b:s4+s16], $0x80, s26, s16, $0xb8;
	[tilespmem:$0x1E800] =	vst v63  }
0x6b: {  	s28 =	simm.s32 $0x80  }
0x6c: {  	[tilespmem:s18], [sflag:$0x2] =	stream.indirect.gather [hbm4b:s4+s16], $0x80, s28, s16, $0xb8;
	[tilespmem:$0x1E800] =	vst v63  }
0x6d: {  	_ =	swait.ge [sflag:s19], $0x4000  }
0x6e: {  	[sflag:s19] =	ssyncset.done $0x0  }
0x6f: {  	s29 =	simm.s32 $0x1400;
	[sflag:s19] =	ssyncadd.s32 $0xFFFFC000  }
0x70: {  	[spmem:s2] =	stream.indirect.scatter.add.f32 [tilespmem:s17], [sflag:$0x3], $0x80, s29, s16, $0xb8;
	[tilespmem:$0x1E800] =	vst v63  }
0x71: {  	_ =	swait.ge [sflag:s14], $0x4000  }
0x72: {  	[sflag:s14] =	ssyncset.done $0x0  }
0x73: {  	s30 =	simm.s32 $0x100;
	[sflag:s14] =	ssyncadd.s32 $0xFFFFC000  }
0x74: {  	[tilespmem:s17], [sflag:$0x1] =	stream.indirect.gather [hbm4b:s4+s16], $0x80, s30, s16, $0xb8;
	[tilespmem:$0x1E800] =	vst v63  }
0x75: {  	_ =	swait.ge [sflag:s20], $0x4000  }
0x76: {  	[sflag:s20] =	ssyncset.done $0x0  }
0x77: {  	s31 =	simm.s32 $0x1480;
	[sflag:s20] =	ssyncadd.s32 $0xFFFFC000  }
0x78: {  	[spmem:s2] =	stream.indirect.scatter.add.f32 [tilespmem:s18], [sflag:$0x3], $0x80, s31, s16, $0xb8;
	[tilespmem:$0x1E800] =	vst v63  }
0x79: {  	_ =	swait.ge [sflag:s14], $0x4000  }
0x7a: {  	s25 =	simm.s32 $0x100;
	s26 =	simm.s32 $0x800;
	[sflag:s14] =	ssyncset.done $0x0  }
.LBB2_4:
0x7b: {  	s28 =	sadd.s32 $0x80, s25  }
0x7c: {  	[sflag:s14] =	ssyncadd.s32 $0xFFFFC000;
	s29 =	smov.u32 s26;
	s30 =	sadd.s32 $0x400, s26  }
0x7d: {  	[tilespmem:s18], [sflag:$0x2] =	stream.indirect.gather [hbm4b:s4+s16], $0x80, s28, s16, $0xb8;
	[tilespmem:$0x1E800] =	vst v63  }
0x7e: {  	p0 =	sne.s32 s26, $0x4800;
	_ =	swait.ge [sflag:s19], $0x4000  }
0x7f: {  	[sflag:s19] =	ssyncset.done $0x0  }
0x80: {  	s26 =	sadd.s32 $0x1400, s25;
	[sflag:s19] =	ssyncadd.s32 $0xFFFFC000  }
0x81: {  	[spmem:s2] =	stream.indirect.scatter.add.f32 [tilespmem:s17], [sflag:$0x3], $0x80, s26, s16, $0xb8;
	[tilespmem:$0x1E800] =	vst v63  }
0x82: {  	_ =	swait.ge [sflag:s14], $0x4000  }
0x83: {  	[sflag:s14] =	ssyncset.done $0x0  }
0x84: {  	s26 =	sadd.s32 $0x100, s25;
	[sflag:s14] =	ssyncadd.s32 $0xFFFFC000  }
0x85: {  	[tilespmem:s17], [sflag:$0x1] =	stream.indirect.gather [hbm4b:s4+s16], $0x80, s26, s16, $0xb8;
	[tilespmem:$0x1E800] =	vst v63  }
0x86: {  	_ =	swait.ge [sflag:s20], $0x4000  }
.Ltmp1:
0x87: {  	[sflag:s20] =	ssyncset.done $0x0;
	(pc) =	sbr.rel @p0 .LBB2_4-.Ltmp1, $4  }
0x88: {  	s25 =	sadd.s32 $0x1480, s25;
	[sflag:s20] =	ssyncadd.s32 $0xFFFFC000  }
0x89: {  	[spmem:s2] =	stream.indirect.scatter.add.f32 [tilespmem:s18], [sflag:$0x3], $0x80, s25, s16, $0xb8;
	[tilespmem:$0x1E800] =	vst v63  }
0x8a: {  	_ =	swait.ge [sflag:s14], $0x4000  }
0x8b: {  	s26 =	smov.u32 s30;
	s25 =	sshra.s32 s29, $0x2;
	[sflag:s14] =	ssyncset.done $0x0  }
0x8c: {  	s26 =	sadd.s32 $0x80, s25;
	[sflag:s14] =	ssyncadd.s32 $0xFFFFC000  }
0x8d: {  	[tilespmem:s18], [sflag:$0x2] =	stream.indirect.gather [hbm4b:s4+s16], $0x80, s26, s16, $0xb8;
	[tilespmem:$0x1E800] =	vst v63  }
0x8e: {  	_ =	swait.ge [sflag:s19], $0x4000  }
0x8f: {  	[sflag:s19] =	ssyncset.done $0x0  }
0x90: {  	s29 =	sadd.s32 $0x1400, s25;
	[sflag:s19] =	ssyncadd.s32 $0xFFFFC000  }
0x91: {  	[spmem:s2] =	stream.indirect.scatter.add.f32 [tilespmem:s17], [sflag:$0x3], $0x80, s29, s16, $0xb8;
	[tilespmem:$0x1E800] =	vst v63  }
0x92: {  	_ =	swait.ge [sflag:s14], $0x4000  }
0x93: {  	[sflag:s14] =	ssyncset.done $0x0  }
0x94: {  	s30 =	sadd.s32 $0x100, s25;
	[sflag:s14] =	ssyncadd.s32 $0xFFFFC000  }
0x95: {  	[tilespmem:s17], [sflag:$0x1] =	stream.indirect.gather [hbm4b:s4+s16], $0x80, s30, s16, $0xb8;
	[tilespmem:$0x1E800] =	vst v63  }
0x96: {  	_ =	swait.ge [sflag:s20], $0x4000  }
0x97: {  	[sflag:s20] =	ssyncset.done $0x0  }
0x98: {  	s31 =	sadd.s32 $0x1480, s25;
	[sflag:s20] =	ssyncadd.s32 $0xFFFFC000  }
0x99: {  	[spmem:s2] =	stream.indirect.scatter.add.f32 [tilespmem:s18], [sflag:$0x3], $0x80, s31, s16, $0xb8;
	[tilespmem:$0x1E800] =	vst v63  }
0x9a: {  	_ =	swait.ge [sflag:s14], $0x4000  }
0x9b: {  	[sflag:s14] =	ssyncset.done $0x0  }
0x9c: {  	[sflag:s14] =	ssyncadd.s32 $0xFFFFC000  }
0x9d: {  	[tilespmem:s18], [sflag:$0x2] =	stream.indirect.gather [hbm4b:s4+s16], $0x80, s21, s16, $0xb8;
	[tilespmem:$0x1E800] =	vst v63  }
0x9e: {  	_ =	swait.ge [sflag:s19], $0x4000  }
0x9f: {  	[sflag:s19] =	ssyncset.done $0x0  }
0xa0: {  	[sflag:s19] =	ssyncadd.s32 $0xFFFFC000  }
0xa1: {  	[spmem:s2] =	stream.indirect.scatter.add.f32 [tilespmem:s17], [sflag:$0x3], $0x80, s22, s16, $0xb8;
	[tilespmem:$0x1E800] =	vst v63  }
0xa2: {  	_ =	swait.ge [sflag:s14], $0x4000  }
0xa3: {  	[sflag:s14] =	ssyncset.done $0x0  }
0xa4: {  	[sflag:s14] =	ssyncadd.s32 $0xFFFFC000  }
0xa5: {  	_ =	swait.ge [sflag:s20], $0x4000  }
0xa6: {  	[sflag:s20] =	ssyncset.done $0x0  }
0xa7: {  	[sflag:s20] =	ssyncadd.s32 $0xFFFFC000  }
0xa8: {  	[spmem:s2] =	stream.indirect.scatter.add.f32 [tilespmem:s18], [sflag:$0x3], $0x80, s23, s16, $0xb8;
	[tilespmem:$0x1E800] =	vst v63  }
0xa9: {  	_ =	swait.ge [sflag:s14], $0x4000  }
0xaa: {  	s24 =	sadd.s32 $0x1, s24;
	[sflag:s14] =	ssyncset.done $0x0  }
0xab: {  	p0 =	sne.s32 s24, s8;
	[sflag:s14] =	ssyncadd.s32 $0xFFFFC000  }
.Ltmp2:
0xac: {  	[bflag:$0x0] =	sbarrier.arrive $0xFFFF;
	(pc) =	sbr.rel @p0 .LBB2_1-.Ltmp2, $4  }
0xad: {  	[hbm:s7], [sflag:s6] =	dma.local [spmem:s13], $0x2800  }
0xae: {  	_ =	swait.ge [sflag:s14], $0x2800  }
0xaf: {  	[sflag:s14] =	ssyncset.done $0x0  }
0xb0: {  	[sflag:s14] =	ssyncadd.s32 $0xFFFFD800  }
0xb1: {  	_ =	sfence.sel $0x180000  }
0xb2: {  	[bflag:$0x0] =	sbarrier.arrive $0xFFFF  }
0xb3: {  	p0 =	sne.s32 s1, $0x0;
	_ =	strace $0x9000004A  }
0xb4: {  	s0 =	sadd.s32 @!p0 $0x100000, s0;
	[bflag:$0x2] =	sbarrier.arrive $0xFFFF  }
0xb5: {  	[sflag:s0] =	ssyncadd.tile.s32 @!p0 $0x1;
	_ =	shalt  }
.Lfunc_end2:
_tile_overlayer_lowered:
.L_overlay_start_2:
0xb6: {  	(tag) =	ssettag $0x2  }
0xb7: {  	s0 =	rddreg [dreg:$0x0];
	s2 =	stileid.u32  }
0xb8: {  	s1 =	rddreg [dreg:$0x1];
	p0 =	sne.s32 s2, $0x0  }
0xb9: {  	s3 =	rddreg [dreg:$0x2];
	[bflag:$0x3] =	sbarrier.arrive $0xFFFF;
	s2 =	simm.s32 @!p0 $0x1C03  }
0xba: {  	[timem:s3], [sflag:s2] =	dma.local @!p0 [hbm:s0], s1  }
0xbb: {  	s0 =	simm.s32 @!p0 $0x3  }
0xbc: {  	_ =	swait.ge @!p0 [sflag:s0], s1  }
0xbd: {  	s1 =	ssub.s32 @!p0 $0x0, s1;
	[sflag:s0] =	ssyncset.done @!p0 $0x0  }
0xbe: {  	[sflag:s0] =	ssyncadd.s32 @!p0 s1  }
0xbf: {  	[bflag:$0x3] =	sbarrier.arrive $0xFFFF  }
0xc0: {  	_ =	shalt  }

// kernel: gnn_sc_conv.7.cloned.1.call-start
scs
__scs_entry_jumppad:
0x0: {  	(pc) =	sbr.rel $0x88, $3  }
0x1: {  	(tag) =	ssettag $0x0;
	lr =	simm.s32 $0x1  }
0x2: {  	[smem:$0x3F99] =	sst lr;
	_ =	strace $0xD0000000  }
0x3: {  	_ = 	snop  }
0x4: {  	_ = 	snop  }
0x5: {  	_ = 	snop  }
0x6: {  	_ = 	snop  }
0x7: {  	_ = 	snop  }
__scs_overlays_trampoline_lowered:
0x8: {  	[smem:$0x3FA8] =	sst s0  }
0x9: {  	[smem:$0x3FA9] =	sst s1  }
0xa: {  	[smem:$0x3FAA] =	sst s2  }
0xb: {  	[smem:$0x3FAB] =	sst s3  }
0xc: {  	[smem:$0x3FAC] =	sst s4  }
0xd: {  	[smem:$0x3FAD] =	sst s5  }
0xe: {  	[smem:$0x3FAE] =	sst s6  }
0xf: {  	[smem:$0x3FAF] =	sst s7  }
0x10: {  	[smem:$0x3FB0] =	sst s8  }
0x11: {  	[smem:$0x3FB1] =	sst s9;
	s0 =	simm.s32 @!p0 $0x0  }
0x12: {  	s1 =	sld [smem:$0x3F97];
	s0 =	simm.s32 @p0 $0x1  }
0x13: {  	[smem:$0x3FB2] =	sst s0;
	s0 =	simm.s32 @!p1 $0x0  }
0x14: {  	s2 =	sld [smem:$0x3F96];
	s0 =	simm.s32 @p1 $0x1  }
0x15: {  	[smem:$0x3FB3] =	sst s0;
	s0 =	simm.s32 @!p2 $0x0  }
0x16: {  	s3 =	sld [smem:$0x3FDB];
	s0 =	simm.s32 @p2 $0x1  }
0x17: {  	s4 =	simm.s32 $0x1BF5;
	[smem:$0x3FB5] =	sst s0  }
0x18: {  	s0 =	sld [smem:$0x3F98];
	_ =	swait.ge [sflag:s4], $0x0  }
0x19: {  	s7 =	sld [smem:$0x3F99]  }
0x1a: {  	s8 =	sadd.s32 $0xFFFFE003, lr  }
0x1b: {  	s9 =	sadd.s32 $0xFFFFFEF7, lr;
	s5 =	simm.s32 $0xFFFFFFFF;
	p2 =	slt.u32 s8, $0xFFFFF086  }
0x1c: {  	p1 =	slt.u32 s9, $0xF7A;
	s5 =	simm.s32 @!p2 $0x0  }
0x1d: {  	s5 =	simm.s32 @p1 $0x1;
	p0 =	seq.s32 s7, s2  }
0x1e: {  	s7 =	smul.u32 @!p0 $0xF7A, s2;
	p2 =	seq.s32 @!p0 s5, $0x0  }
0x1f: {  	s9 =	smul.u32 $0xF7A, s1;
	s8 =	simm.s32 @!p0 $0x1BF5;
	p2 =	por !p2, p0  }
0x20: {  	[sflag:s8] =	ssyncset.s32 @!p0 $0xFFFFF086;
	s6 =	sadd.s32 @!p0 s3, s7;
	s7 =	simm.s32 @!p0 $0x108  }
0x21: {  	s3 =	sadd.s32 s3, s9;
	s6 =	sadd.s32 @!p0 $0x88, s6;
	s7 =	simm.s32 @p2 $0x1082  }
0x22: {  	[simem:s7], [sflag:s8] =	dma.local @!p0 [hbm:s6], $0xF7A  }
0x23: {  	s9 =	sor.u32 $0xD0000000, s2;
	s6 =	simm.s32 $0x108;
	_ =	swait.ge @!p0 [sflag:s8], $0x0  }
0x24: {  	s3 =	sadd.s32 $0x88, s3;
	s6 =	simm.s32 @!p1 $0x1082;
	[sflag:s4] =	ssyncset.s32 $0xFFFFF086  }
0x25: {  	[simem:s6], [sflag:s4] =	dma.local [hbm:s3], $0xF7A  }
0x26: {  	[smem:$0x3F99] =	sst s1;
	(tag) =	ssettag s2;
	_ =	strace s9  }
0x27: {  	s1 =	sld [smem:$0x3FA9]  }
0x28: {  	s2 =	sld [smem:$0x3FAA]  }
0x29: {  	s4 =	sld [smem:$0x3FAC]  }
0x2a: {  	p0 =	seq.s32 s5, $0x0;
	s5 =	sld [smem:$0x3FAD]  }
0x2b: {  	s6 =	sld [smem:$0x3FAE]  }
0x2c: {  	s7 =	sld [smem:$0x3FAF]  }
0x2d: {  	s3 =	simm.s32 $0x108;
	s8 =	sld [smem:$0x3FB0]  }
0x2e: {  	s3 =	simm.s32 @!p0 $0x1082;
	s9 =	sld [smem:$0x3FB1]  }
0x2f: {  	lr =	sadd.s32 s0, s3;
	s0 =	sld [smem:$0x3FA8]  }
0x30: {  	s3 =	sld [smem:$0x3FAB]  }
0x31: {  	[smem:$0x3FB4] =	sst s10  }
0x32: {  	s10 =	sld [smem:$0x3FB2];
	_ =	sdelay $0x3  }
0x33: {  	p0 =	seq.s32 s10, $0x1;
	s10 =	sld [smem:$0x3FB4];
	_ =	sdelay $0x3  }
0x34: {  	[smem:$0x3FB4] =	sst s10  }
0x35: {  	s10 =	sld [smem:$0x3FB3];
	_ =	sdelay $0x3  }
0x36: {  	p1 =	seq.s32 s10, $0x1;
	s10 =	sld [smem:$0x3FB4];
	_ =	sdelay $0x3  }
0x37: {  	[smem:$0x3FB4] =	sst s10  }
0x38: {  	s10 =	sld [smem:$0x3FB5]  }
0x39: {  	_ = 	snop;
	(pc) =	sbr.ind lr, $3  }
0x3a: {  	_ = 	snop  }
0x3b: {  	_ = 	snop  }
0x3c: {  	p2 =	seq.s32 s10, $0x1;
	s10 =	sld [smem:$0x3FB4]  }
0x3d: {  	_ =	shalt  }
0x3e: {  	_ =	shalt  }
0x3f: {  	_ =	shalt  }
0x40: {  	_ =	shalt  }
0x41: {  	_ =	shalt  }
0x42: {  	_ =	shalt  }
0x43: {  	_ =	shalt  }
0x44: {  	_ =	shalt  }
0x45: {  	_ =	shalt  }
0x46: {  	_ =	shalt  }
0x47: {  	_ =	shalt  }
0x48: {  	_ =	shalt  }
0x49: {  	_ =	shalt  }
0x4a: {  	_ =	shalt  }
0x4b: {  	_ =	shalt  }
0x4c: {  	_ =	shalt  }
0x4d: {  	_ =	shalt  }
0x4e: {  	_ =	shalt  }
0x4f: {  	_ =	shalt  }
0x50: {  	_ =	shalt  }
0x51: {  	_ =	shalt  }
0x52: {  	_ =	shalt  }
0x53: {  	_ =	shalt  }
0x54: {  	_ =	shalt  }
0x55: {  	_ =	shalt  }
0x56: {  	_ =	shalt  }
0x57: {  	_ =	shalt  }
0x58: {  	_ =	shalt  }
0x59: {  	_ =	shalt  }
0x5a: {  	_ =	shalt  }
0x5b: {  	_ =	shalt  }
0x5c: {  	_ =	shalt  }
0x5d: {  	_ =	shalt  }
0x5e: {  	_ =	shalt  }
0x5f: {  	_ =	shalt  }
0x60: {  	_ =	shalt  }
0x61: {  	_ =	shalt  }
0x62: {  	_ =	shalt  }
0x63: {  	_ =	shalt  }
0x64: {  	_ =	shalt  }
0x65: {  	_ =	shalt  }
0x66: {  	_ =	shalt  }
0x67: {  	_ =	shalt  }
0x68: {  	_ =	shalt  }
0x69: {  	_ =	shalt  }
0x6a: {  	_ =	shalt  }
0x6b: {  	_ =	shalt  }
0x6c: {  	_ =	shalt  }
0x6d: {  	_ =	shalt  }
0x6e: {  	_ =	shalt  }
0x6f: {  	_ =	shalt  }
0x70: {  	_ =	shalt  }
0x71: {  	_ =	shalt  }
0x72: {  	_ =	shalt  }
0x73: {  	_ =	shalt  }
0x74: {  	_ =	shalt  }
0x75: {  	_ =	shalt  }
0x76: {  	_ =	shalt  }
0x77: {  	_ =	shalt  }
0x78: {  	_ =	shalt  }
0x79: {  	_ =	shalt  }
0x7a: {  	_ =	shalt  }
0x7b: {  	_ =	shalt  }
0x7c: {  	_ =	shalt  }
0x7d: {  	_ =	shalt  }
0x7e: {  	_ =	shalt  }
0x7f: {  	_ =	shalt  }
0x80: {  	_ =	shalt  }
0x81: {  	_ =	shalt  }
0x82: {  	_ =	shalt  }
0x83: {  	_ =	shalt  }
0x84: {  	_ =	shalt  }
0x85: {  	_ =	shalt  }
0x86: {  	_ =	shalt  }
0x87: {  	_ =	shalt  }
.Lfunc_end0:
.L_simem_size_0:
called_computation.2_lowered:
.L_overlay_start_0:
0x88: {  	s2 =	sld [smem:$0x3FD9]  }
0x89: {  	s3 =	sld [smem:$0x3FFE];
	_ =	sdelay $0x1  }
0x8a: {  	s1 =	srdreg.scid  }
0x8b: {  	s0 =	sand.u32 $0x1, s1  }
0x8c: {  	s16 =	sshll.u32 s0, $0xA;
	s2 =	sadd.s32 s3, s2  }
0x8d: {  	s2 =	sadd.s32 s2, s16  }
0x8e: {  	[smem:$0x3FC0] =	sst s2  }
0x8f: {  	_ = 	snop  }
0x90: {  	(tm) =	ssettm $0x1  }
0x91: {  	s17 =	sld [smem:$0x3FFB];
	_ =	sdelay $0x3  }
0x92: {  	_ =	strace s17  }
0x93: {  	s2 =	sld [smem:$0x3FFC];
	_ =	sdelay $0x3  }
0x94: {  	_ =	strace s2  }
0x95: {  	s2 =	sld [smem:$0x3FFD];
	_ =	sdelay $0x3  }
0x96: {  	_ =	strace s2  }
0x97: {  	_ =	strace $0x8FFFFFFF  }
0x98: {  	s18 =	sld [smem:$0x3FDB];
	_ =	sdelay $0x1  }
0x99: {  	s19 =	simm.s32 $_scs_section_size  }
0x9a: {  	s4 =	simm.s32 $_size__tile_overlayer_lowered;
	s5 =	simm.s32 $_tile_overlayer_lowered  }
0x9b: {  	s22 =	simm.s32 $0x1BFF;
	s21 =	sshll.u32 s5, $0x1;
	s2 =	sadd.s32 s19, s18  }
0x9c: {  	s6 =	simm.s32 $0x0;
	s20 =	sshll.u32 s4, $0x1;
	s4 =	sadd.s32 s21, s2  }
0x9d: {  	[timem:s6], [sflag:s22] =	dma.local [hbm:s4], s20  }
0x9e: {  	_ =	swait.ge [sflag:s22], s20  }
0x9f: {  	s3 =	ssub.s32 $0x0, s20;
	[sflag:s22] =	ssyncset.done $0x0  }
0xa0: {  	[sflag:s22] =	ssyncadd.s32 s3;
	_ =	sdelay $0x1  }
0xa1: {  	s23 =	simm.s32 $0x1B8B  }
0xa2: {  	_ =	swait.ge [sflag:s23], $0x1  }
0xa3: {  	[sflag:s23] =	ssyncset.done $0x0  }
0xa4: {  	s25 =	simm.s32 $0x1B8E;
	s24 =	sld [smem:$0x3FFE];
	[sflag:s23] =	ssyncadd.s32 $0xFFFFFFFF  }
0xa5: {  	s26 =	simm.s32 $execute0_lowered;
	[smem:$0x3FD2] =	sst s25  }
0xa6: {  	s4 =	sshll.u32 s26, $0x1;
	_ =	strace $0x8000004C;
	[dreg:$0x1] =	wrdreg $0xFFFFFFFF  }
0xa7: {  	s28 =	simm.s32 $_size_execute0_lowered;
	s2 =	sadd.s32 s2, s4;
	[dreg:$0x0] =	wrdreg $0x0  }
0xa8: {  	s4 =	sshll.u32 s28, $0x1;
	[dreg:$0x2] =	wrdreg s2  }
0xa9: {  	[dreg:$0x3] =	wrdreg s4  }
0xaa: {  	[dreg:$0x4] =	wrdreg $0xC0  }
0xab: {  	_ =	task [dreg:s6], $0x5FFFF  }
0xac: {  	[dreg:$0x1] =	wrdreg $0xFFFFFFFF  }
0xad: {  	[dreg:$0x0] =	wrdreg $0x60  }
0xae: {  	[dreg:$0x2] =	wrdreg s24  }
0xaf: {  	[dreg:$0x3] =	wrdreg $0xA8000  }
0xb0: {  	[dreg:$0x4] =	wrdreg $0x9  }
0xb1: {  	_ =	task.clear_ibuf [dreg:s6], $0x5FFFF;
	_ =	strace $0x9000004C  }
0xb2: {  	s29 =	simm.s32 $0x9;
	_ =	strace $0x8000004E  }
0xb3: {  	_ =	swait.ge [sflag:s29], $0x1  }
0xb4: {  	[sflag:s29] =	ssyncadd.s32 $0xFFFFFFFF  }
0xb5: {  	_ =	strace $0x9000004E  }
0xb6: {  	_ =	sfence  }
0xb7: {  	s30 =	sld [smem:$0x0];
	_ =	sdelay $0x2  }
0xb8: {  	s31 =	sshll.u32 s1, $0xD;
	s1 =	sshrl.u32 s1, $0x2  }
0xb9: {  	s3 =	sand.u32 $0x4000, s31;
	s1 =	sadd.s32 s1, s30  }
0xba: {  	s0 =	sor.u32 s3, s0;
	s1 =	sshll.u32 s1, $0x11  }
0xbb: {  	s0 =	sor.u32 s1, s0  }
0xbc: {  	s0 =	sadd.s32 $0x8F2B, s0  }
0xbd: {  	[sflag:s0] =	ssyncadd.remote.s32 $0x1  }
0xbe: {  	_ =	sfence.sel $0xFFFF  }
0xbf: {  	[dreg:$0x0] =	wrdreg $0xFFFFFFFF;
	(pc) =	sbr.abs _section_cstart, $3  }
0xc0: {  	[dreg:$0x1] =	wrdreg $0xFFFFFFFF  }
0xc1: {  	_ =	task.clear_ibuf [dreg:s6], $0x2FFFF;
	_ =	strace $0x9FFFFFFF  }
0xc2: {  	(tm) =	ssettm $0x7FFFFFFF  }
0xc3: {  	_ =	shalt  }
tec
execute0_lowered:
.L_overlay_start_1:
0x0: {  	(tag) =	ssettag $0x1  }
0x1: {  	s5 =	rddreg [dreg:$0x0]  }
0x2: {  	s2 =	rddreg [dreg:$0x1]  }
0x3: {  	s0 =	rddreg [dreg:$0x2];
	s3 =	simm.s32 $0x0;
	s1 =	stileid.u32  }
0x4: {  	s4 =	srdreg.scid;
	s15 =	simm.s32 $0x1400;
	s16 =	simm.s32 $0x80  }
0x5: {  	s17 =	simm.s32 $0x2800;
	s18 =	simm.s32 $0x6800;
	s19 =	simm.s32 $0x1  }
0x6: {  	s20 =	simm.s32 $0x2;
	s21 =	simm.s32 $0x1380;
	s22 =	simm.s32 $0x2700  }
0x7: {  	[smem:$0x7FF] =	sst s3;
	s6 =	smul.u32 $0x14000, s1;
	s7 =	sand.u32 $0x1, s4  }
0x8: {  	s4 =	sadd.s32 $0x41800, s5;
	s11 =	sadd.s32 $0x5000, s5;
	s12 =	sadd.s32 $0xF000, s5  }
0x9: {  	s10 =	smul.u32 $0x50000, s1;
	s25 =	sshll.u32 s1, $0x1;
	s29 =	sshll.u32 s1, $0x6  }
0xa: {  	_ =	strace $0x8000004D;
	s8 =	smul.u32 $0x140000, s7;
	s23 =	ssub.s32 $0x2, s7  }
0xb: {  	s26 =	sor.u32 s7, s25;
	s9 =	sshrl.u32 s6, $0x3;
	s24 =	sshrl.u32 s23, $0x1  }
0xc: {  	s28 =	sshrl.u32 s10, $0x2;
	s30 =	smul.u32 $0x500, s26;
	s9 =	sadd.s32 s9, s5  }
0xd: {  	s6 =	sadd.s32 s6, s8;
	s8 =	ssub.s32 s23, s24;
	s14 =	sadd.s32 s28, s2  }
0xe: {  	s23 =	simm.s32 $0x2780;
	s24 =	simm.s32 $0x0;
	s6 =	sshrl.u32 s6, $0x3  }
0xf: {  	s8 =	smax.u32 s8, $0x1;
	s31 =	sadd.s32 $0x280, s30;
	s10 =	sadd.s32 s12, s30  }
0x10: {  	s13 =	sadd.s32 s6, s5;
	s5 =	sadd.s32 $0x19800, s9;
	s6 =	sor.u32 $0x1C03, s29  }
0x11: {  	s9 =	sadd.s32 s11, s30;
	s11 =	sadd.s32 s11, s31;
	s12 =	sadd.s32 s12, s31  }
0x12: {  	s7 =	sadd.s32 $0x69800, s13;
	s13 =	sshrl.u32 s14, $0x3;
	s14 =	simm.s32 $0x3  }
.LBB2_1:
0x13: {  	[spmem:s13], [sflag:s6] =	dma.local [hbm:s5], $0x2800  }
0x14: {  	_ =	swait.ge [sflag:s14], $0x2800  }
0x15: {  	[sflag:s14] =	ssyncset.done $0x0  }
0x16: {  	[sflag:s14] =	ssyncadd.s32 $0xFFFFD800  }
0x17: {  	[bflag:$0x0] =	sbarrier.arrive $0xFFFF  }
0x18: {  	[tilespmem:s3], [sflag:$0x3] =	stream.linear.gather [hbm4b:s9+s3], $0x1400, $0x38;
	[tilespmem:$0x1E800] =	vst v63  }
0x19: {  	_ =	swait.ge [sflag:s14], $0x1400  }
0x1a: {  	[sflag:s14] =	ssyncset.done $0x0  }
0x1b: {  	[sflag:s14] =	ssyncadd.s32 $0xFFFFEC00  }
0x1c: {  	[tilespmem:s15], [sflag:$0x3] =	stream.linear.gather [hbm4b:s10+s3], $0x1400, $0x38;
	[tilespmem:$0x1E800] =	vst v63  }
0x1d: {  	_ =	swait.ge [sflag:s14], $0x1400  }
0x1e: {  	[sflag:s14] =	ssyncset.done $0x0  }
0x1f: {  	[sflag:s14] =	ssyncadd.s32 $0xFFFFEC00  }
0x20: {  	[tilespmem:s17], [sflag:$0x1] =	stream.indirect.gather [hbm4b:s4+s16], $0x80, s3, s16, $0xb8;
	[tilespmem:$0x1E800] =	vst v63  }
0x21: {  	s25 =	simm.s32 $0x80  }
0x22: {  	[tilespmem:s18], [sflag:$0x2] =	stream.indirect.gather [hbm4b:s4+s16], $0x80, s25, s16, $0xb8;
	[tilespmem:$0x1E800] =	vst v63  }
0x23: {  	_ =	swait.ge [sflag:s19], $0x4000  }
0x24: {  	[sflag:s19] =	ssyncset.done $0x0  }
0x25: {  	s29 =	simm.s32 $0x1400;
	[sflag:s19] =	ssyncadd.s32 $0xFFFFC000  }
0x26: {  	[spmem:s2] =	stream.indirect.scatter.add.f32 [tilespmem:s17], [sflag:$0x3], $0x80, s29, s16, $0xb8;
	[tilespmem:$0x1E800] =	vst v63  }
0x27: {  	_ =	swait.ge [sflag:s14], $0x4000  }
0x28: {  	[sflag:s14] =	ssyncset.done $0x0  }
0x29: {  	s30 =	simm.s32 $0x100;
	[sflag:s14] =	ssyncadd.s32 $0xFFFFC000  }
0x2a: {  	[tilespmem:s17], [sflag:$0x1] =	stream.indirect.gather [hbm4b:s4+s16], $0x80, s30, s16, $0xb8;
	[tilespmem:$0x1E800] =	vst v63  }
0x2b: {  	_ =	swait.ge [sflag:s20], $0x4000  }
0x2c: {  	[sflag:s20] =	ssyncset.done $0x0  }
0x2d: {  	s31 =	simm.s32 $0x1480;
	[sflag:s20] =	ssyncadd.s32 $0xFFFFC000  }
0x2e: {  	[spmem:s2] =	stream.indirect.scatter.add.f32 [tilespmem:s18], [sflag:$0x3], $0x80, s31, s16, $0xb8;
	[tilespmem:$0x1E800] =	vst v63  }
0x2f: {  	_ =	swait.ge [sflag:s14], $0x4000  }
0x30: {  	s26 =	simm.s32 $0x800;
	s25 =	simm.s32 $0x100;
	[sflag:s14] =	ssyncset.done $0x0  }
.LBB2_2:
0x31: {  	s28 =	sadd.s32 $0x80, s25  }
0x32: {  	[sflag:s14] =	ssyncadd.s32 $0xFFFFC000;
	s29 =	smov.u32 s26;
	s30 =	sadd.s32 $0x400, s26  }
0x33: {  	[tilespmem:s18], [sflag:$0x2] =	stream.indirect.gather [hbm4b:s4+s16], $0x80, s28, s16, $0xb8;
	[tilespmem:$0x1E800] =	vst v63  }
0x34: {  	p0 =	sne.s32 s26, $0x4800;
	_ =	swait.ge [sflag:s19], $0x4000  }
0x35: {  	[sflag:s19] =	ssyncset.done $0x0  }
0x36: {  	s26 =	sadd.s32 $0x1400, s25;
	[sflag:s19] =	ssyncadd.s32 $0xFFFFC000  }
0x37: {  	[spmem:s2] =	stream.indirect.scatter.add.f32 [tilespmem:s17], [sflag:$0x3], $0x80, s26, s16, $0xb8;
	[tilespmem:$0x1E800] =	vst v63  }
0x38: {  	_ =	swait.ge [sflag:s14], $0x4000  }
0x39: {  	[sflag:s14] =	ssyncset.done $0x0  }
0x3a: {  	s26 =	sadd.s32 $0x100, s25;
	[sflag:s14] =	ssyncadd.s32 $0xFFFFC000  }
0x3b: {  	[tilespmem:s17], [sflag:$0x1] =	stream.indirect.gather [hbm4b:s4+s16], $0x80, s26, s16, $0xb8;
	[tilespmem:$0x1E800] =	vst v63  }
0x3c: {  	_ =	swait.ge [sflag:s20], $0x4000  }
.Ltmp0:
0x3d: {  	[sflag:s20] =	ssyncset.done $0x0;
	(pc) =	sbr.rel @p0 .LBB2_2-.Ltmp0, $4  }
0x3e: {  	s25 =	sadd.s32 $0x1480, s25;
	[sflag:s20] =	ssyncadd.s32 $0xFFFFC000  }
0x3f: {  	[spmem:s2] =	stream.indirect.scatter.add.f32 [tilespmem:s18], [sflag:$0x3], $0x80, s25, s16, $0xb8;
	[tilespmem:$0x1E800] =	vst v63  }
0x40: {  	_ =	swait.ge [sflag:s14], $0x4000  }
0x41: {  	s26 =	smov.u32 s30;
	s25 =	sshra.s32 s29, $0x2;
	[sflag:s14] =	ssyncset.done $0x0  }
0x42: {  	s26 =	sadd.s32 $0x80, s25;
	[sflag:s14] =	ssyncadd.s32 $0xFFFFC000  }
0x43: {  	[tilespmem:s18], [sflag:$0x2] =	stream.indirect.gather [hbm4b:s4+s16], $0x80, s26, s16, $0xb8;
	[tilespmem:$0x1E800] =	vst v63  }
0x44: {  	_ =	swait.ge [sflag:s19], $0x4000  }
0x45: {  	[sflag:s19] =	ssyncset.done $0x0  }
0x46: {  	s29 =	sadd.s32 $0x1400, s25;
	[sflag:s19] =	ssyncadd.s32 $0xFFFFC000  }
0x47: {  	[spmem:s2] =	stream.indirect.scatter.add.f32 [tilespmem:s17], [sflag:$0x3], $0x80, s29, s16, $0xb8;
	[tilespmem:$0x1E800] =	vst v63  }
0x48: {  	_ =	swait.ge [sflag:s14], $0x4000  }
0x49: {  	[sflag:s14] =	ssyncset.done $0x0  }
0x4a: {  	s30 =	sadd.s32 $0x100, s25;
	[sflag:s14] =	ssyncadd.s32 $0xFFFFC000  }
0x4b: {  	[tilespmem:s17], [sflag:$0x1] =	stream.indirect.gather [hbm4b:s4+s16], $0x80, s30, s16, $0xb8;
	[tilespmem:$0x1E800] =	vst v63  }
0x4c: {  	_ =	swait.ge [sflag:s20], $0x4000  }
0x4d: {  	[sflag:s20] =	ssyncset.done $0x0  }
0x4e: {  	s31 =	sadd.s32 $0x1480, s25;
	[sflag:s20] =	ssyncadd.s32 $0xFFFFC000  }
0x4f: {  	[spmem:s2] =	stream.indirect.scatter.add.f32 [tilespmem:s18], [sflag:$0x3], $0x80, s31, s16, $0xb8;
	[tilespmem:$0x1E800] =	vst v63  }
0x50: {  	_ =	swait.ge [sflag:s14], $0x4000  }
0x51: {  	[sflag:s14] =	ssyncset.done $0x0  }
0x52: {  	[sflag:s14] =	ssyncadd.s32 $0xFFFFC000  }
0x53: {  	[tilespmem:s18], [sflag:$0x2] =	stream.indirect.gather [hbm4b:s4+s16], $0x80, s21, s16, $0xb8;
	[tilespmem:$0x1E800] =	vst v63  }
0x54: {  	_ =	swait.ge [sflag:s19], $0x4000  }
0x55: {  	[sflag:s19] =	ssyncset.done $0x0  }
0x56: {  	[sflag:s19] =	ssyncadd.s32 $0xFFFFC000  }
0x57: {  	[spmem:s2] =	stream.indirect.scatter.add.f32 [tilespmem:s17], [sflag:$0x3], $0x80, s22, s16, $0xb8;
	[tilespmem:$0x1E800] =	vst v63  }
0x58: {  	_ =	swait.ge [sflag:s14], $0x4000  }
0x59: {  	[sflag:s14] =	ssyncset.done $0x0  }
0x5a: {  	[sflag:s14] =	ssyncadd.s32 $0xFFFFC000  }
0x5b: {  	_ =	swait.ge [sflag:s20], $0x4000  }
0x5c: {  	[sflag:s20] =	ssyncset.done $0x0  }
0x5d: {  	[sflag:s20] =	ssyncadd.s32 $0xFFFFC000  }
0x5e: {  	[spmem:s2] =	stream.indirect.scatter.add.f32 [tilespmem:s18], [sflag:$0x3], $0x80, s23, s16, $0xb8;
	[tilespmem:$0x1E800] =	vst v63  }
0x5f: {  	_ =	swait.ge [sflag:s14], $0x4000  }
0x60: {  	[sflag:s14] =	ssyncset.done $0x0  }
0x61: {  	s26 =	simm.s32 $0x0;
	[sflag:s14] =	ssyncadd.s32 $0xFFFFC000  }
0x62: {  	[tilespmem:s26], [sflag:$0x3] =	stream.linear.gather [hbm4b:s11+s26], $0x1400, $0x38;
	[tilespmem:$0x1E800] =	vst v63  }
0x63: {  	_ =	swait.ge [sflag:s14], $0x1400  }
0x64: {  	[sflag:s14] =	ssyncset.done $0x0  }
0x65: {  	[sflag:s14] =	ssyncadd.s32 $0xFFFFEC00  }
0x66: {  	[tilespmem:s15], [sflag:$0x3] =	stream.linear.gather [hbm4b:s12+s26], $0x1400, $0x38;
	[tilespmem:$0x1E800] =	vst v63  }
0x67: {  	_ =	swait.ge [sflag:s14], $0x1400  }
0x68: {  	[sflag:s14] =	ssyncset.done $0x0  }
0x69: {  	[sflag:s14] =	ssyncadd.s32 $0xFFFFEC00  }
0x6a: {  	[tilespmem:s17], [sflag:$0x1] =	stream.indirect.gather [hbm4b:s4+s16], $0x80, s26, s16, $0xb8;
	[tilespmem:$0x1E800] =	vst v63  }
0x6b: {  	s28 =	simm.s32 $0x80  }
0x6c: {  	[tilespmem:s18], [sflag:$0x2] =	stream.indirect.gather [hbm4b:s4+s16], $0x80, s28, s16, $0xb8;
	[tilespmem:$0x1E800] =	vst v63  }
0x6d: {  	_ =	swait.ge [sflag:s19], $0x4000  }
0x6e: {  	[sflag:s19] =	ssyncset.done $0x0  }
0x6f: {  	s29 =	simm.s32 $0x1400;
	[sflag:s19] =	ssyncadd.s32 $0xFFFFC000  }
0x70: {  	[spmem:s2] =	stream.indirect.scatter.add.f32 [tilespmem:s17], [sflag:$0x3], $0x80, s29, s16, $0xb8;
	[tilespmem:$0x1E800] =	vst v63  }
0x71: {  	_ =	swait.ge [sflag:s14], $0x4000  }
0x72: {  	[sflag:s14] =	ssyncset.done $0x0  }
0x73: {  	s30 =	simm.s32 $0x100;
	[sflag:s14] =	ssyncadd.s32 $0xFFFFC000  }
0x74: {  	[tilespmem:s17], [sflag:$0x1] =	stream.indirect.gather [hbm4b:s4+s16], $0x80, s30, s16, $0xb8;
	[tilespmem:$0x1E800] =	vst v63  }
0x75: {  	_ =	swait.ge [sflag:s20], $0x4000  }
0x76: {  	[sflag:s20] =	ssyncset.done $0x0  }
0x77: {  	s31 =	simm.s32 $0x1480;
	[sflag:s20] =	ssyncadd.s32 $0xFFFFC000  }
0x78: {  	[spmem:s2] =	stream.indirect.scatter.add.f32 [tilespmem:s18], [sflag:$0x3], $0x80, s31, s16, $0xb8;
	[tilespmem:$0x1E800] =	vst v63  }
0x79: {  	_ =	swait.ge [sflag:s14], $0x4000  }
0x7a: {  	s25 =	simm.s32 $0x100;
	s26 =	simm.s32 $0x800;
	[sflag:s14] =	ssyncset.done $0x0  }
.LBB2_4:
0x7b: {  	s28 =	sadd.s32 $0x80, s25  }
0x7c: {  	[sflag:s14] =	ssyncadd.s32 $0xFFFFC000;
	s29 =	smov.u32 s26;
	s30 =	sadd.s32 $0x400, s26  }
0x7d: {  	[tilespmem:s18], [sflag:$0x2] =	stream.indirect.gather [hbm4b:s4+s16], $0x80, s28, s16, $0xb8;
	[tilespmem:$0x1E800] =	vst v63  }
0x7e: {  	p0 =	sne.s32 s26, $0x4800;
	_ =	swait.ge [sflag:s19], $0x4000  }
0x7f: {  	[sflag:s19] =	ssyncset.done $0x0  }
0x80: {  	s26 =	sadd.s32 $0x1400, s25;
	[sflag:s19] =	ssyncadd.s32 $0xFFFFC000  }
0x81: {  	[spmem:s2] =	stream.indirect.scatter.add.f32 [tilespmem:s17], [sflag:$0x3], $0x80, s26, s16, $0xb8;
	[tilespmem:$0x1E800] =	vst v63  }
0x82: {  	_ =	swait.ge [sflag:s14], $0x4000  }
0x83: {  	[sflag:s14] =	ssyncset.done $0x0  }
0x84: {  	s26 =	sadd.s32 $0x100, s25;
	[sflag:s14] =	ssyncadd.s32 $0xFFFFC000  }
0x85: {  	[tilespmem:s17], [sflag:$0x1] =	stream.indirect.gather [hbm4b:s4+s16], $0x80, s26, s16, $0xb8;
	[tilespmem:$0x1E800] =	vst v63  }
0x86: {  	_ =	swait.ge [sflag:s20], $0x4000  }
.Ltmp1:
0x87: {  	[sflag:s20] =	ssyncset.done $0x0;
	(pc) =	sbr.rel @p0 .LBB2_4-.Ltmp1, $4  }
0x88: {  	s25 =	sadd.s32 $0x1480, s25;
	[sflag:s20] =	ssyncadd.s32 $0xFFFFC000  }
0x89: {  	[spmem:s2] =	stream.indirect.scatter.add.f32 [tilespmem:s18], [sflag:$0x3], $0x80, s25, s16, $0xb8;
	[tilespmem:$0x1E800] =	vst v63  }
0x8a: {  	_ =	swait.ge [sflag:s14], $0x4000  }
0x8b: {  	s26 =	smov.u32 s30;
	s25 =	sshra.s32 s29, $0x2;
	[sflag:s14] =	ssyncset.done $0x0  }
0x8c: {  	s26 =	sadd.s32 $0x80, s25;
	[sflag:s14] =	ssyncadd.s32 $0xFFFFC000  }
0x8d: {  	[tilespmem:s18], [sflag:$0x2] =	stream.indirect.gather [hbm4b:s4+s16], $0x80, s26, s16, $0xb8;
	[tilespmem:$0x1E800] =	vst v63  }
0x8e: {  	_ =	swait.ge [sflag:s19], $0x4000  }
0x8f: {  	[sflag:s19] =	ssyncset.done $0x0  }
0x90: {  	s29 =	sadd.s32 $0x1400, s25;
	[sflag:s19] =	ssyncadd.s32 $0xFFFFC000  }
0x91: {  	[spmem:s2] =	stream.indirect.scatter.add.f32 [tilespmem:s17], [sflag:$0x3], $0x80, s29, s16, $0xb8;
	[tilespmem:$0x1E800] =	vst v63  }
0x92: {  	_ =	swait.ge [sflag:s14], $0x4000  }
0x93: {  	[sflag:s14] =	ssyncset.done $0x0  }
0x94: {  	s30 =	sadd.s32 $0x100, s25;
	[sflag:s14] =	ssyncadd.s32 $0xFFFFC000  }
0x95: {  	[tilespmem:s17], [sflag:$0x1] =	stream.indirect.gather [hbm4b:s4+s16], $0x80, s30, s16, $0xb8;
	[tilespmem:$0x1E800] =	vst v63  }
0x96: {  	_ =	swait.ge [sflag:s20], $0x4000  }
0x97: {  	[sflag:s20] =	ssyncset.done $0x0  }
0x98: {  	s31 =	sadd.s32 $0x1480, s25;
	[sflag:s20] =	ssyncadd.s32 $0xFFFFC000  }
0x99: {  	[spmem:s2] =	stream.indirect.scatter.add.f32 [tilespmem:s18], [sflag:$0x3], $0x80, s31, s16, $0xb8;
	[tilespmem:$0x1E800] =	vst v63  }
0x9a: {  	_ =	swait.ge [sflag:s14], $0x4000  }
0x9b: {  	[sflag:s14] =	ssyncset.done $0x0  }
0x9c: {  	[sflag:s14] =	ssyncadd.s32 $0xFFFFC000  }
0x9d: {  	[tilespmem:s18], [sflag:$0x2] =	stream.indirect.gather [hbm4b:s4+s16], $0x80, s21, s16, $0xb8;
	[tilespmem:$0x1E800] =	vst v63  }
0x9e: {  	_ =	swait.ge [sflag:s19], $0x4000  }
0x9f: {  	[sflag:s19] =	ssyncset.done $0x0  }
0xa0: {  	[sflag:s19] =	ssyncadd.s32 $0xFFFFC000  }
0xa1: {  	[spmem:s2] =	stream.indirect.scatter.add.f32 [tilespmem:s17], [sflag:$0x3], $0x80, s22, s16, $0xb8;
	[tilespmem:$0x1E800] =	vst v63  }
0xa2: {  	_ =	swait.ge [sflag:s14], $0x4000  }
0xa3: {  	[sflag:s14] =	ssyncset.done $0x0  }
0xa4: {  	[sflag:s14] =	ssyncadd.s32 $0xFFFFC000  }
0xa5: {  	_ =	swait.ge [sflag:s20], $0x4000  }
0xa6: {  	[sflag:s20] =	ssyncset.done $0x0  }
0xa7: {  	[sflag:s20] =	ssyncadd.s32 $0xFFFFC000  }
0xa8: {  	[spmem:s2] =	stream.indirect.scatter.add.f32 [tilespmem:s18], [sflag:$0x3], $0x80, s23, s16, $0xb8;
	[tilespmem:$0x1E800] =	vst v63  }
0xa9: {  	_ =	swait.ge [sflag:s14], $0x4000  }
0xaa: {  	s24 =	sadd.s32 $0x1, s24;
	[sflag:s14] =	ssyncset.done $0x0  }
0xab: {  	p0 =	sne.s32 s24, s8;
	[sflag:s14] =	ssyncadd.s32 $0xFFFFC000  }
.Ltmp2:
0xac: {  	[bflag:$0x0] =	sbarrier.arrive $0xFFFF;
	(pc) =	sbr.rel @p0 .LBB2_1-.Ltmp2, $4  }
0xad: {  	[hbm:s7], [sflag:s6] =	dma.local [spmem:s13], $0x2800  }
0xae: {  	_ =	swait.ge [sflag:s14], $0x2800  }
0xaf: {  	[sflag:s14] =	ssyncset.done $0x0  }
0xb0: {  	[sflag:s14] =	ssyncadd.s32 $0xFFFFD800  }
0xb1: {  	_ =	sfence.sel $0x180000  }
0xb2: {  	[bflag:$0x0] =	sbarrier.arrive $0xFFFF  }
0xb3: {  	p0 =	sne.s32 s1, $0x0;
	_ =	strace $0x9000004D  }
0xb4: {  	s0 =	sadd.s32 @!p0 $0x100000, s0;
	[bflag:$0x2] =	sbarrier.arrive $0xFFFF  }
0xb5: {  	[sflag:s0] =	ssyncadd.tile.s32 @!p0 $0x1;
	_ =	shalt  }
.Lfunc_end2:
_tile_overlayer_lowered:
.L_overlay_start_2:
0xb6: {  	(tag) =	ssettag $0x2  }
0xb7: {  	s0 =	rddreg [dreg:$0x0];
	s2 =	stileid.u32  }
0xb8: {  	s1 =	rddreg [dreg:$0x1];
	p0 =	sne.s32 s2, $0x0  }
0xb9: {  	s3 =	rddreg [dreg:$0x2];
	[bflag:$0x3] =	sbarrier.arrive $0xFFFF;
	s2 =	simm.s32 @!p0 $0x1C03  }
0xba: {  	[timem:s3], [sflag:s2] =	dma.local @!p0 [hbm:s0], s1  }
0xbb: {  	s0 =	simm.s32 @!p0 $0x3  }
0xbc: {  	_ =	swait.ge @!p0 [sflag:s0], s1  }
0xbd: {  	s1 =	ssub.s32 @!p0 $0x0, s1;
	[sflag:s0] =	ssyncset.done @!p0 $0x0  }
0xbe: {  	[sflag:s0] =	ssyncadd.s32 @!p0 s1  }
0xbf: {  	[bflag:$0x3] =	sbarrier.arrive $0xFFFF  }
0xc0: {  	_ =	shalt  }

// kernel: gnn_sc_deg_gather.3.cloned.1.call-start
scs
__scs_entry_jumppad:
0x0: {  	(pc) =	sbr.rel $0x88, $3  }
0x1: {  	(tag) =	ssettag $0x0;
	lr =	simm.s32 $0x1  }
0x2: {  	[smem:$0x3F99] =	sst lr;
	_ =	strace $0xD0000000  }
0x3: {  	_ = 	snop  }
0x4: {  	_ = 	snop  }
0x5: {  	_ = 	snop  }
0x6: {  	_ = 	snop  }
0x7: {  	_ = 	snop  }
__scs_overlays_trampoline_lowered:
0x8: {  	[smem:$0x3FA8] =	sst s0  }
0x9: {  	[smem:$0x3FA9] =	sst s1  }
0xa: {  	[smem:$0x3FAA] =	sst s2  }
0xb: {  	[smem:$0x3FAB] =	sst s3  }
0xc: {  	[smem:$0x3FAC] =	sst s4  }
0xd: {  	[smem:$0x3FAD] =	sst s5  }
0xe: {  	[smem:$0x3FAE] =	sst s6  }
0xf: {  	[smem:$0x3FAF] =	sst s7  }
0x10: {  	[smem:$0x3FB0] =	sst s8  }
0x11: {  	[smem:$0x3FB1] =	sst s9;
	s0 =	simm.s32 @!p0 $0x0  }
0x12: {  	s1 =	sld [smem:$0x3F97];
	s0 =	simm.s32 @p0 $0x1  }
0x13: {  	[smem:$0x3FB2] =	sst s0;
	s0 =	simm.s32 @!p1 $0x0  }
0x14: {  	s2 =	sld [smem:$0x3F96];
	s0 =	simm.s32 @p1 $0x1  }
0x15: {  	[smem:$0x3FB3] =	sst s0;
	s0 =	simm.s32 @!p2 $0x0  }
0x16: {  	s3 =	sld [smem:$0x3FDB];
	s0 =	simm.s32 @p2 $0x1  }
0x17: {  	s4 =	simm.s32 $0x1BF5;
	[smem:$0x3FB5] =	sst s0  }
0x18: {  	s0 =	sld [smem:$0x3F98];
	_ =	swait.ge [sflag:s4], $0x0  }
0x19: {  	s7 =	sld [smem:$0x3F99]  }
0x1a: {  	s8 =	sadd.s32 $0xFFFFE003, lr  }
0x1b: {  	s9 =	sadd.s32 $0xFFFFFEF7, lr;
	s5 =	simm.s32 $0xFFFFFFFF;
	p2 =	slt.u32 s8, $0xFFFFF086  }
0x1c: {  	p1 =	slt.u32 s9, $0xF7A;
	s5 =	simm.s32 @!p2 $0x0  }
0x1d: {  	s5 =	simm.s32 @p1 $0x1;
	p0 =	seq.s32 s7, s2  }
0x1e: {  	s7 =	smul.u32 @!p0 $0xF7A, s2;
	p2 =	seq.s32 @!p0 s5, $0x0  }
0x1f: {  	s9 =	smul.u32 $0xF7A, s1;
	s8 =	simm.s32 @!p0 $0x1BF5;
	p2 =	por !p2, p0  }
0x20: {  	[sflag:s8] =	ssyncset.s32 @!p0 $0xFFFFF086;
	s6 =	sadd.s32 @!p0 s3, s7;
	s7 =	simm.s32 @!p0 $0x108  }
0x21: {  	s3 =	sadd.s32 s3, s9;
	s6 =	sadd.s32 @!p0 $0x88, s6;
	s7 =	simm.s32 @p2 $0x1082  }
0x22: {  	[simem:s7], [sflag:s8] =	dma.local @!p0 [hbm:s6], $0xF7A  }
0x23: {  	s9 =	sor.u32 $0xD0000000, s2;
	s6 =	simm.s32 $0x108;
	_ =	swait.ge @!p0 [sflag:s8], $0x0  }
0x24: {  	s3 =	sadd.s32 $0x88, s3;
	s6 =	simm.s32 @!p1 $0x1082;
	[sflag:s4] =	ssyncset.s32 $0xFFFFF086  }
0x25: {  	[simem:s6], [sflag:s4] =	dma.local [hbm:s3], $0xF7A  }
0x26: {  	[smem:$0x3F99] =	sst s1;
	(tag) =	ssettag s2;
	_ =	strace s9  }
0x27: {  	s1 =	sld [smem:$0x3FA9]  }
0x28: {  	s2 =	sld [smem:$0x3FAA]  }
0x29: {  	s4 =	sld [smem:$0x3FAC]  }
0x2a: {  	p0 =	seq.s32 s5, $0x0;
	s5 =	sld [smem:$0x3FAD]  }
0x2b: {  	s6 =	sld [smem:$0x3FAE]  }
0x2c: {  	s7 =	sld [smem:$0x3FAF]  }
0x2d: {  	s3 =	simm.s32 $0x108;
	s8 =	sld [smem:$0x3FB0]  }
0x2e: {  	s3 =	simm.s32 @!p0 $0x1082;
	s9 =	sld [smem:$0x3FB1]  }
0x2f: {  	lr =	sadd.s32 s0, s3;
	s0 =	sld [smem:$0x3FA8]  }
0x30: {  	s3 =	sld [smem:$0x3FAB]  }
0x31: {  	[smem:$0x3FB4] =	sst s10  }
0x32: {  	s10 =	sld [smem:$0x3FB2];
	_ =	sdelay $0x3  }
0x33: {  	p0 =	seq.s32 s10, $0x1;
	s10 =	sld [smem:$0x3FB4];
	_ =	sdelay $0x3  }
0x34: {  	[smem:$0x3FB4] =	sst s10  }
0x35: {  	s10 =	sld [smem:$0x3FB3];
	_ =	sdelay $0x3  }
0x36: {  	p1 =	seq.s32 s10, $0x1;
	s10 =	sld [smem:$0x3FB4];
	_ =	sdelay $0x3  }
0x37: {  	[smem:$0x3FB4] =	sst s10  }
0x38: {  	s10 =	sld [smem:$0x3FB5]  }
0x39: {  	_ = 	snop;
	(pc) =	sbr.ind lr, $3  }
0x3a: {  	_ = 	snop  }
0x3b: {  	_ = 	snop  }
0x3c: {  	p2 =	seq.s32 s10, $0x1;
	s10 =	sld [smem:$0x3FB4]  }
0x3d: {  	_ =	shalt  }
0x3e: {  	_ =	shalt  }
0x3f: {  	_ =	shalt  }
0x40: {  	_ =	shalt  }
0x41: {  	_ =	shalt  }
0x42: {  	_ =	shalt  }
0x43: {  	_ =	shalt  }
0x44: {  	_ =	shalt  }
0x45: {  	_ =	shalt  }
0x46: {  	_ =	shalt  }
0x47: {  	_ =	shalt  }
0x48: {  	_ =	shalt  }
0x49: {  	_ =	shalt  }
0x4a: {  	_ =	shalt  }
0x4b: {  	_ =	shalt  }
0x4c: {  	_ =	shalt  }
0x4d: {  	_ =	shalt  }
0x4e: {  	_ =	shalt  }
0x4f: {  	_ =	shalt  }
0x50: {  	_ =	shalt  }
0x51: {  	_ =	shalt  }
0x52: {  	_ =	shalt  }
0x53: {  	_ =	shalt  }
0x54: {  	_ =	shalt  }
0x55: {  	_ =	shalt  }
0x56: {  	_ =	shalt  }
0x57: {  	_ =	shalt  }
0x58: {  	_ =	shalt  }
0x59: {  	_ =	shalt  }
0x5a: {  	_ =	shalt  }
0x5b: {  	_ =	shalt  }
0x5c: {  	_ =	shalt  }
0x5d: {  	_ =	shalt  }
0x5e: {  	_ =	shalt  }
0x5f: {  	_ =	shalt  }
0x60: {  	_ =	shalt  }
0x61: {  	_ =	shalt  }
0x62: {  	_ =	shalt  }
0x63: {  	_ =	shalt  }
0x64: {  	_ =	shalt  }
0x65: {  	_ =	shalt  }
0x66: {  	_ =	shalt  }
0x67: {  	_ =	shalt  }
0x68: {  	_ =	shalt  }
0x69: {  	_ =	shalt  }
0x6a: {  	_ =	shalt  }
0x6b: {  	_ =	shalt  }
0x6c: {  	_ =	shalt  }
0x6d: {  	_ =	shalt  }
0x6e: {  	_ =	shalt  }
0x6f: {  	_ =	shalt  }
0x70: {  	_ =	shalt  }
0x71: {  	_ =	shalt  }
0x72: {  	_ =	shalt  }
0x73: {  	_ =	shalt  }
0x74: {  	_ =	shalt  }
0x75: {  	_ =	shalt  }
0x76: {  	_ =	shalt  }
0x77: {  	_ =	shalt  }
0x78: {  	_ =	shalt  }
0x79: {  	_ =	shalt  }
0x7a: {  	_ =	shalt  }
0x7b: {  	_ =	shalt  }
0x7c: {  	_ =	shalt  }
0x7d: {  	_ =	shalt  }
0x7e: {  	_ =	shalt  }
0x7f: {  	_ =	shalt  }
0x80: {  	_ =	shalt  }
0x81: {  	_ =	shalt  }
0x82: {  	_ =	shalt  }
0x83: {  	_ =	shalt  }
0x84: {  	_ =	shalt  }
0x85: {  	_ =	shalt  }
0x86: {  	_ =	shalt  }
0x87: {  	_ =	shalt  }
.Lfunc_end0:
.L_simem_size_0:
called_computation_lowered:
.L_overlay_start_0:
0x88: {  	s2 =	sld [smem:$0x3FD9]  }
0x89: {  	s3 =	sld [smem:$0x3FFE];
	_ =	sdelay $0x1  }
0x8a: {  	s1 =	srdreg.scid  }
0x8b: {  	s0 =	sand.u32 $0x1, s1  }
0x8c: {  	s17 =	sshll.u32 s0, $0xA;
	s2 =	sadd.s32 s3, s2  }
0x8d: {  	s2 =	sadd.s32 s2, s17  }
0x8e: {  	[smem:$0x3FC0] =	sst s2  }
0x8f: {  	_ = 	snop  }
0x90: {  	s2 =	sld [smem:$0x3FC6];
	(tm) =	ssettm $0x1  }
0x91: {  	s18 =	sld [smem:$0x3FFB];
	_ =	sdelay $0x3  }
0x92: {  	_ =	strace s18  }
0x93: {  	s3 =	sld [smem:$0x3FFC];
	_ =	sdelay $0x3  }
0x94: {  	_ =	strace s3  }
0x95: {  	s3 =	sld [smem:$0x3FFD];
	_ =	sdelay $0x3  }
0x96: {  	_ =	strace s3  }
0x97: {  	_ =	strace $0x8FFFFFFF  }
0x98: {  	s19 =	sld [smem:$0x3FDB];
	_ =	sdelay $0x1  }
0x99: {  	s4 =	simm.s32 $_scs_section_size  }
0x9a: {  	s5 =	simm.s32 $_size__tile_overlayer_lowered;
	s6 =	simm.s32 $_tile_overlayer_lowered  }
0x9b: {  	s22 =	simm.s32 $0x1BFF;
	s21 =	sshll.u32 s6, $0x1;
	s3 =	sadd.s32 s4, s19  }
0x9c: {  	s7 =	simm.s32 $0x0;
	s20 =	sshll.u32 s5, $0x1;
	s5 =	sadd.s32 s21, s3  }
0x9d: {  	[timem:s7], [sflag:s22] =	dma.local [hbm:s5], s20  }
0x9e: {  	_ =	swait.ge [sflag:s22], s20  }
0x9f: {  	s4 =	ssub.s32 $0x0, s20;
	[sflag:s22] =	ssyncset.done $0x0  }
0xa0: {  	[sflag:s22] =	ssyncadd.s32 s4;
	_ =	sdelay $0x1  }
0xa1: {  	s23 =	simm.s32 $0x1B8B  }
0xa2: {  	_ =	swait.ge [sflag:s23], $0x1  }
0xa3: {  	[sflag:s23] =	ssyncset.done $0x0  }
0xa4: {  	s25 =	simm.s32 $0x1B8E;
	s24 =	sld [smem:$0x3FFE];
	[sflag:s23] =	ssyncadd.s32 $0xFFFFFFFF  }
0xa5: {  	s26 =	simm.s32 $execute0_lowered;
	[smem:$0x3FD2] =	sst s25  }
0xa6: {  	s5 =	sshll.u32 s26, $0x1;
	_ =	strace $0x80000046;
	[dreg:$0x1] =	wrdreg $0xFFFFFFFF  }
0xa7: {  	s28 =	simm.s32 $_size_execute0_lowered;
	s3 =	sadd.s32 s3, s5;
	[dreg:$0x0] =	wrdreg $0x0  }
0xa8: {  	s5 =	sshll.u32 s28, $0x1;
	[dreg:$0x2] =	wrdreg s3  }
0xa9: {  	[dreg:$0x3] =	wrdreg s5  }
0xaa: {  	[dreg:$0x4] =	wrdreg $0xC0  }
0xab: {  	_ =	task [dreg:s7], $0x5FFFF  }
0xac: {  	[dreg:$0x1] =	wrdreg $0xFFFFFFFF  }
0xad: {  	[dreg:$0x0] =	wrdreg $0x60  }
0xae: {  	[dreg:$0x2] =	wrdreg s24  }
0xaf: {  	[dreg:$0x3] =	wrdreg s2  }
0xb0: {  	[dreg:$0x4] =	wrdreg $0x98000  }
0xb1: {  	[dreg:$0x5] =	wrdreg $0x9  }
0xb2: {  	_ =	task.clear_ibuf [dreg:s7], $0x6FFFF;
	_ =	strace $0x90000046  }
0xb3: {  	s29 =	simm.s32 $0x9;
	_ =	strace $0x80000048  }
0xb4: {  	_ =	swait.ge [sflag:s29], $0x1  }
0xb5: {  	[sflag:s29] =	ssyncadd.s32 $0xFFFFFFFF  }
0xb6: {  	_ =	strace $0x90000048  }
0xb7: {  	_ =	sfence  }
0xb8: {  	s30 =	sld [smem:$0x0];
	_ =	sdelay $0x2  }
0xb9: {  	s31 =	sshll.u32 s1, $0xD;
	s1 =	sshrl.u32 s1, $0x2  }
0xba: {  	s3 =	sand.u32 $0x4000, s31;
	s1 =	sadd.s32 s1, s30  }
0xbb: {  	s0 =	sor.u32 s3, s0;
	s1 =	sshll.u32 s1, $0x11  }
0xbc: {  	s0 =	sor.u32 s1, s0  }
0xbd: {  	s0 =	sadd.s32 $0x8F2B, s0  }
0xbe: {  	[sflag:s0] =	ssyncadd.remote.s32 $0x1  }
0xbf: {  	_ =	sfence.sel $0xFFFF  }
0xc0: {  	[dreg:$0x0] =	wrdreg $0xFFFFFFFF;
	(pc) =	sbr.abs _section_cstart, $3  }
0xc1: {  	[dreg:$0x1] =	wrdreg $0xFFFFFFFF  }
0xc2: {  	_ =	task.clear_ibuf [dreg:s7], $0x2FFFF;
	_ =	strace $0x9FFFFFFF  }
0xc3: {  	(tm) =	ssettm $0x7FFFFFFF  }
tec
execute0_lowered:
.L_overlay_start_1:
0x0: {  	(tag) =	ssettag $0x1  }
0x1: {  	s6 =	rddreg [dreg:$0x0]  }
0x2: {  	s1 =	srdreg.scid;
	s2 =	rddreg [dreg:$0x1]  }
0x3: {  	s0 =	stileid.u32;
	s3 =	rddreg [dreg:$0x2]  }
0x4: {  	s4 =	simm.s32 $0x0;
	s17 =	simm.s32 $0x28;
	s18 =	simm.s32 $0x7000  }
0x5: {  	s19 =	simm.s32 $0x1;
	s20 =	simm.s32 $0x8400;
	s21 =	simm.s32 $0x80  }
0x6: {  	s22 =	simm.s32 $0x2;
	s23 =	simm.s32 $0x0;
	s9 =	smul.u32 $0x14000, s0  }
0x7: {  	s7 =	sand.u32 $0x1, s1;
	s1 =	rddreg [dreg:$0x3];
	s29 =	smul.u32 $0x2800, s0  }
0x8: {  	s28 =	sshll.u32 s0, $0x1;
	[smem:$0x7FF] =	sst s4;
	s14 =	smul.u32 $0x50000, s0  }
0x9: {  	s31 =	sshll.u32 s0, $0x6;
	s5 =	sor.u32 s7, s28;
	s11 =	smul.u32 $0x140000, s7  }
0xa: {  	_ =	strace $0x80000047;
	s13 =	ssub.s32 $0x2, s7;
	s15 =	smul.u32 $0x1400, s7  }
0xb: {  	s8 =	smul.u32 $0x500, s5;
	s5 =	sshll.u32 s5, $0x8;
	s12 =	sshrl.u32 s9, $0x3  }
0xc: {  	s30 =	sshrl.u32 s13, $0x1;
	s14 =	sshrl.u32 s14, $0x2;
	s10 =	sadd.s32 s5, s6  }
0xd: {  	s5 =	sadd.s32 $0x19000, s6;
	s12 =	sadd.s32 s12, s6;
	s9 =	sadd.s32 s9, s11  }
0xe: {  	s11 =	sadd.s32 s29, s6;
	s13 =	ssub.s32 s13, s30;
	s16 =	sadd.s32 s14, s3  }
0xf: {  	s14 =	simm.s32 $0x3000;
	s8 =	sadd.s32 s8, s6;
	s9 =	sshrl.u32 s9, $0x3  }
0x10: {  	s7 =	sadd.s32 $0x3000, s10;
	s11 =	sadd.s32 s15, s11;
	s10 =	smax.u32 s13, $0x1  }
0x11: {  	s13 =	simm.s32 $0x2800;
	s15 =	sor.u32 $0x1C03, s31;
	s16 =	sshrl.u32 s16, $0x3  }
0x12: {  	s9 =	sadd.s32 s9, s6;
	s6 =	sadd.s32 $0xF000, s8;
	s8 =	sadd.s32 $0x19800, s12  }
0x13: {  	s11 =	sadd.s32 $0x91800, s11;
	s12 =	simm.s32 $0x3;
	s9 =	sadd.s32 $0x41800, s9  }
.LBB2_1:
0x14: {  	[tilespmem:s4], [sflag:$0x3] =	stream.linear.gather [hbm4b:s6+s4], $0x2800, $0x38;
	[tilespmem:$0x1D800] =	vst v63  }
0x15: {  	_ =	swait.ge [sflag:s12], $0x2800  }
0x16: {  	[sflag:s12] =	ssyncset.done $0x0  }
0x17: {  	[sflag:s12] =	ssyncadd.s32 $0xFFFFD800  }
0x18: {  	[tilespmem:s13], [sflag:$0x3] =	stream.linear.gather [hbm4b:s7+s4], $0x480, $0x38;
	[tilespmem:$0x1D800] =	vst v63  }
0x19: {  	_ =	swait.ge [sflag:s12], $0x480  }
0x1a: {  	[sflag:s12] =	ssyncset.done $0x0  }
0x1b: {  	[sflag:s12] =	ssyncadd.s32 $0xFFFFFB80  }
0x1c: {  	[tilespmem:s14], [sflag:$0x3] =	stream.linear.gather [hbm4b:s5+s4], $0x4000, $0x38;
	[tilespmem:$0x1D800] =	vst v63  }
0x1d: {  	_ =	swait.ge [sflag:s12], $0x4000  }
0x1e: {  	[sflag:s12] =	ssyncset.done $0x0  }
0x1f: {  	[sflag:s12] =	ssyncadd.s32 $0xFFFFC000  }
0x20: {  	[spmem:s16], [sflag:s15] =	dma.local [hbm:s8], $0x2800  }
0x21: {  	_ =	swait.ge [sflag:s12], $0x2800  }
0x22: {  	[sflag:s12] =	ssyncset.done $0x0  }
0x23: {  	[sflag:s12] =	ssyncadd.s32 $0xFFFFD800  }
0x24: {  	[bflag:$0x0] =	sbarrier.arrive $0xFFFF  }
0x25: {  	[tilespmem:s18], [sflag:$0x1] =	stream.indirect.gather [hbm4b:s2+s17], $0x80, s13, s17, $0xb8;
	[tilespmem:$0x1D800] =	vst v63  }
0x26: {  	_ =	swait.ge [sflag:s19], $0x1400  }
0x27: {  	[sflag:s19] =	ssyncset.done $0x0  }
0x28: {  	s24 =	simm.s32 $0x2880;
	[sflag:s19] =	ssyncadd.s32 $0xFFFFEC00  }
0x29: {  	[tilespmem:s20], [sflag:$0x2] =	stream.indirect.gather [hbm4b:s2+s17], $0x80, s24, s17, $0xb8;
	[tilespmem:$0x1D800] =	vst v63  }
0x2a: {  	s29 =	simm.s32 $0x0  }
0x2b: {  	[spmem:s3] =	stream.indirect.scatter.add.f32 [tilespmem:s14], [sflag:$0x3], $0x80, s29, s21, $0xb8;
	[tilespmem:$0x1D800] =	vst v63  }
0x2c: {  	_ =	swait.ge [sflag:s12], $0x4000  }
0x2d: {  	[sflag:s12] =	ssyncset.done $0x0  }
0x2e: {  	s30 =	simm.s32 $0x80;
	[sflag:s12] =	ssyncadd.s32 $0xFFFFC000  }
0x2f: {  	[spmem:s3] =	stream.indirect.scatter.add.f32 [tilespmem:s14], [sflag:$0x3], $0x80, s30, s21, $0xb8;
	[tilespmem:$0x1D800] =	vst v63  }
0x30: {  	_ =	swait.ge [sflag:s12], $0x4000  }
0x31: {  	[sflag:s12] =	ssyncset.done $0x0  }
0x32: {  	s31 =	simm.s32 $0x100;
	[sflag:s12] =	ssyncadd.s32 $0xFFFFC000  }
0x33: {  	[spmem:s3] =	stream.indirect.scatter.add.f32 [tilespmem:s14], [sflag:$0x3], $0x80, s31, s21, $0xb8;
	[tilespmem:$0x1D800] =	vst v63  }
0x34: {  	_ =	swait.ge [sflag:s12], $0x4000  }
0x35: {  	[sflag:s12] =	ssyncset.done $0x0  }
0x36: {  	s25 =	simm.s32 $0x180;
	[sflag:s12] =	ssyncadd.s32 $0xFFFFC000  }
0x37: {  	[spmem:s3] =	stream.indirect.scatter.add.f32 [tilespmem:s14], [sflag:$0x3], $0x80, s25, s21, $0xb8;
	[tilespmem:$0x1D800] =	vst v63  }
0x38: {  	_ =	swait.ge [sflag:s12], $0x4000  }
0x39: {  	[sflag:s12] =	ssyncset.done $0x0  }
0x3a: {  	s26 =	simm.s32 $0x200;
	[sflag:s12] =	ssyncadd.s32 $0xFFFFC000  }
0x3b: {  	[spmem:s3] =	stream.indirect.scatter.add.f32 [tilespmem:s14], [sflag:$0x3], $0x80, s26, s21, $0xb8;
	[tilespmem:$0x1D800] =	vst v63  }
0x3c: {  	_ =	swait.ge [sflag:s12], $0x4000  }
0x3d: {  	[sflag:s12] =	ssyncset.done $0x0  }
0x3e: {  	s28 =	simm.s32 $0x280;
	[sflag:s12] =	ssyncadd.s32 $0xFFFFC000  }
0x3f: {  	[spmem:s3] =	stream.indirect.scatter.add.f32 [tilespmem:s14], [sflag:$0x3], $0x80, s28, s21, $0xb8;
	[tilespmem:$0x1D800] =	vst v63  }
0x40: {  	_ =	swait.ge [sflag:s12], $0x4000  }
0x41: {  	[sflag:s12] =	ssyncset.done $0x0  }
0x42: {  	s29 =	simm.s32 $0x300;
	[sflag:s12] =	ssyncadd.s32 $0xFFFFC000  }
0x43: {  	[spmem:s3] =	stream.indirect.scatter.add.f32 [tilespmem:s14], [sflag:$0x3], $0x80, s29, s21, $0xb8;
	[tilespmem:$0x1D800] =	vst v63  }
0x44: {  	_ =	swait.ge [sflag:s12], $0x4000  }
0x45: {  	[sflag:s12] =	ssyncset.done $0x0  }
0x46: {  	s30 =	simm.s32 $0x380;
	[sflag:s12] =	ssyncadd.s32 $0xFFFFC000  }
0x47: {  	[spmem:s3] =	stream.indirect.scatter.add.f32 [tilespmem:s14], [sflag:$0x3], $0x80, s30, s21, $0xb8;
	[tilespmem:$0x1D800] =	vst v63  }
0x48: {  	_ =	swait.ge [sflag:s12], $0x4000  }
0x49: {  	[sflag:s12] =	ssyncset.done $0x0  }
0x4a: {  	s31 =	simm.s32 $0x400;
	[sflag:s12] =	ssyncadd.s32 $0xFFFFC000  }
0x4b: {  	[spmem:s3] =	stream.indirect.scatter.add.f32 [tilespmem:s14], [sflag:$0x3], $0x80, s31, s21, $0xb8;
	[tilespmem:$0x1D800] =	vst v63  }
0x4c: {  	_ =	swait.ge [sflag:s12], $0x4000  }
0x4d: {  	[sflag:s12] =	ssyncset.done $0x0  }
0x4e: {  	s25 =	simm.s32 $0x480;
	[sflag:s12] =	ssyncadd.s32 $0xFFFFC000  }
0x4f: {  	[spmem:s3] =	stream.indirect.scatter.add.f32 [tilespmem:s14], [sflag:$0x3], $0x80, s25, s21, $0xb8;
	[tilespmem:$0x1D800] =	vst v63  }
0x50: {  	_ =	swait.ge [sflag:s12], $0x4000  }
0x51: {  	[sflag:s12] =	ssyncset.done $0x0  }
0x52: {  	[sflag:s12] =	ssyncadd.s32 $0xFFFFC000  }
0x53: {  	[hbm4b:s11+s4] =	stream.linear.scatter [tilespmem:s18], [sflag:$0x3], $0x1400, $0x38;
	[tilespmem:$0x1D800] =	vst v63  }
0x54: {  	_ =	swait.ge [sflag:s12], $0x1400  }
0x55: {  	[sflag:s12] =	ssyncset.done $0x0  }
0x56: {  	[sflag:s12] =	ssyncadd.s32 $0xFFFFEC00  }
0x57: {  	_ =	swait.ge [sflag:s22], $0x1400  }
0x58: {  	[sflag:s22] =	ssyncset.done $0x0  }
0x59: {  	s24 =	simm.s32 $0x2900;
	[sflag:s22] =	ssyncadd.s32 $0xFFFFEC00  }
0x5a: {  	[tilespmem:s18], [sflag:$0x1] =	stream.indirect.gather [hbm4b:s2+s17], $0x80, s24, s17, $0xb8;
	[tilespmem:$0x1D800] =	vst v63  }
0x5b: {  	s25 =	simm.s32 $0x500  }
0x5c: {  	[spmem:s3] =	stream.indirect.scatter.add.f32 [tilespmem:s14], [sflag:$0x3], $0x80, s25, s21, $0xb8;
	[tilespmem:$0x1D800] =	vst v63  }
0x5d: {  	_ =	swait.ge [sflag:s12], $0x4000  }
0x5e: {  	[sflag:s12] =	ssyncset.done $0x0  }
0x5f: {  	s26 =	simm.s32 $0x580;
	[sflag:s12] =	ssyncadd.s32 $0xFFFFC000  }
0x60: {  	[spmem:s3] =	stream.indirect.scatter.add.f32 [tilespmem:s14], [sflag:$0x3], $0x80, s26, s21, $0xb8;
	[tilespmem:$0x1D800] =	vst v63  }
0x61: {  	_ =	swait.ge [sflag:s12], $0x4000  }
0x62: {  	[sflag:s12] =	ssyncset.done $0x0  }
0x63: {  	s28 =	simm.s32 $0x600;
	[sflag:s12] =	ssyncadd.s32 $0xFFFFC000  }
0x64: {  	[spmem:s3] =	stream.indirect.scatter.add.f32 [tilespmem:s14], [sflag:$0x3], $0x80, s28, s21, $0xb8;
	[tilespmem:$0x1D800] =	vst v63  }
0x65: {  	_ =	swait.ge [sflag:s12], $0x4000  }
0x66: {  	[sflag:s12] =	ssyncset.done $0x0  }
0x67: {  	s29 =	simm.s32 $0x680;
	[sflag:s12] =	ssyncadd.s32 $0xFFFFC000  }
0x68: {  	[spmem:s3] =	stream.indirect.scatter.add.f32 [tilespmem:s14], [sflag:$0x3], $0x80, s29, s21, $0xb8;
	[tilespmem:$0x1D800] =	vst v63  }
0x69: {  	_ =	swait.ge [sflag:s12], $0x4000  }
0x6a: {  	[sflag:s12] =	ssyncset.done $0x0  }
0x6b: {  	s30 =	simm.s32 $0x700;
	[sflag:s12] =	ssyncadd.s32 $0xFFFFC000  }
0x6c: {  	[spmem:s3] =	stream.indirect.scatter.add.f32 [tilespmem:s14], [sflag:$0x3], $0x80, s30, s21, $0xb8;
	[tilespmem:$0x1D800] =	vst v63  }
0x6d: {  	_ =	swait.ge [sflag:s12], $0x4000  }
0x6e: {  	[sflag:s12] =	ssyncset.done $0x0  }
0x6f: {  	s31 =	simm.s32 $0x780;
	[sflag:s12] =	ssyncadd.s32 $0xFFFFC000  }
0x70: {  	[spmem:s3] =	stream.indirect.scatter.add.f32 [tilespmem:s14], [sflag:$0x3], $0x80, s31, s21, $0xb8;
	[tilespmem:$0x1D800] =	vst v63  }
0x71: {  	_ =	swait.ge [sflag:s12], $0x4000  }
0x72: {  	[sflag:s12] =	ssyncset.done $0x0  }
0x73: {  	s26 =	simm.s32 $0x800;
	[sflag:s12] =	ssyncadd.s32 $0xFFFFC000  }
0x74: {  	[spmem:s3] =	stream.indirect.scatter.add.f32 [tilespmem:s14], [sflag:$0x3], $0x80, s26, s21, $0xb8;
	[tilespmem:$0x1D800] =	vst v63  }
0x75: {  	_ =	swait.ge [sflag:s12], $0x4000  }
0x76: {  	[sflag:s12] =	ssyncset.done $0x0  }
0x77: {  	s28 =	simm.s32 $0x880;
	[sflag:s12] =	ssyncadd.s32 $0xFFFFC000  }
0x78: {  	[spmem:s3] =	stream.indirect.scatter.add.f32 [tilespmem:s14], [sflag:$0x3], $0x80, s28, s21, $0xb8;
	[tilespmem:$0x1D800] =	vst v63  }
0x79: {  	_ =	swait.ge [sflag:s12], $0x4000  }
0x7a: {  	[sflag:s12] =	ssyncset.done $0x0  }
0x7b: {  	s29 =	simm.s32 $0x900;
	[sflag:s12] =	ssyncadd.s32 $0xFFFFC000  }
0x7c: {  	[spmem:s3] =	stream.indirect.scatter.add.f32 [tilespmem:s14], [sflag:$0x3], $0x80, s29, s21, $0xb8;
	[tilespmem:$0x1D800] =	vst v63  }
0x7d: {  	_ =	swait.ge [sflag:s12], $0x4000  }
0x7e: {  	[sflag:s12] =	ssyncset.done $0x0  }
0x7f: {  	s30 =	simm.s32 $0x980;
	[sflag:s12] =	ssyncadd.s32 $0xFFFFC000  }
0x80: {  	[spmem:s3] =	stream.indirect.scatter.add.f32 [tilespmem:s14], [sflag:$0x3], $0x80, s30, s21, $0xb8;
	[tilespmem:$0x1D800] =	vst v63  }
0x81: {  	_ =	swait.ge [sflag:s12], $0x4000  }
0x82: {  	[sflag:s12] =	ssyncset.done $0x0  }
0x83: {  	s31 =	sadd.s32 $0x280, s11;
	[sflag:s12] =	ssyncadd.s32 $0xFFFFC000  }
0x84: {  	[hbm4b:s31+s4] =	stream.linear.scatter [tilespmem:s20], [sflag:$0x3], $0x1400, $0x38;
	[tilespmem:$0x1D800] =	vst v63  }
0x85: {  	_ =	swait.ge [sflag:s12], $0x1400  }
0x86: {  	s25 =	simm.s32 $0x2800;
	s26 =	smov.u32 s11;
	[sflag:s12] =	ssyncset.done $0x0  }
.LBB2_2:
0x87: {  	[sflag:s12] =	ssyncadd.s32 $0xFFFFEC00  }
0x88: {  	s24 =	sadd.s32 $0x100, s24;
	s26 =	sadd.s32 $0x500, s26;
	s28 =	smov.u32 s25  }
0x89: {  	p0 =	sne.s32 s25, $0x7800;
	s25 =	sadd.s32 $0x2800, s25;
	_ =	swait.ge [sflag:s19], $0x1400  }
0x8a: {  	[sflag:s19] =	ssyncset.done $0x0  }
0x8b: {  	s29 =	sadd.s32 $0xFFFFFF80, s24;
	[sflag:s19] =	ssyncadd.s32 $0xFFFFEC00  }
0x8c: {  	[tilespmem:s20], [sflag:$0x2] =	stream.indirect.gather [hbm4b:s2+s17], $0x80, s29, s17, $0xb8;
	[tilespmem:$0x1D800] =	vst v63  }
0x8d: {  	s28 =	sshra.s32 s28, $0x2  }
0x8e: {  	[spmem:s3] =	stream.indirect.scatter.add.f32 [tilespmem:s14], [sflag:$0x3], $0x80, s28, s21, $0xb8;
	[tilespmem:$0x1D800] =	vst v63  }
0x8f: {  	_ =	swait.ge [sflag:s12], $0x4000  }
0x90: {  	[sflag:s12] =	ssyncset.done $0x0  }
0x91: {  	s29 =	sadd.s32 $0x80, s28;
	[sflag:s12] =	ssyncadd.s32 $0xFFFFC000  }
0x92: {  	[spmem:s3] =	stream.indirect.scatter.add.f32 [tilespmem:s14], [sflag:$0x3], $0x80, s29, s21, $0xb8;
	[tilespmem:$0x1D800] =	vst v63  }
0x93: {  	_ =	swait.ge [sflag:s12], $0x4000  }
0x94: {  	[sflag:s12] =	ssyncset.done $0x0  }
0x95: {  	s29 =	sadd.s32 $0x100, s28;
	[sflag:s12] =	ssyncadd.s32 $0xFFFFC000  }
0x96: {  	[spmem:s3] =	stream.indirect.scatter.add.f32 [tilespmem:s14], [sflag:$0x3], $0x80, s29, s21, $0xb8;
	[tilespmem:$0x1D800] =	vst v63  }
0x97: {  	_ =	swait.ge [sflag:s12], $0x4000  }
0x98: {  	[sflag:s12] =	ssyncset.done $0x0  }
0x99: {  	s29 =	sadd.s32 $0x180, s28;
	[sflag:s12] =	ssyncadd.s32 $0xFFFFC000  }
0x9a: {  	[spmem:s3] =	stream.indirect.scatter.add.f32 [tilespmem:s14], [sflag:$0x3], $0x80, s29, s21, $0xb8;
	[tilespmem:$0x1D800] =	vst v63  }
0x9b: {  	_ =	swait.ge [sflag:s12], $0x4000  }
0x9c: {  	[sflag:s12] =	ssyncset.done $0x0  }
0x9d: {  	s29 =	sadd.s32 $0x200, s28;
	[sflag:s12] =	ssyncadd.s32 $0xFFFFC000  }
0x9e: {  	[spmem:s3] =	stream.indirect.scatter.add.f32 [tilespmem:s14], [sflag:$0x3], $0x80, s29, s21, $0xb8;
	[tilespmem:$0x1D800] =	vst v63  }
0x9f: {  	_ =	swait.ge [sflag:s12], $0x4000  }
0xa0: {  	[sflag:s12] =	ssyncset.done $0x0  }
0xa1: {  	s29 =	sadd.s32 $0x280, s28;
	[sflag:s12] =	ssyncadd.s32 $0xFFFFC000  }
0xa2: {  	[spmem:s3] =	stream.indirect.scatter.add.f32 [tilespmem:s14], [sflag:$0x3], $0x80, s29, s21, $0xb8;
	[tilespmem:$0x1D800] =	vst v63  }
0xa3: {  	_ =	swait.ge [sflag:s12], $0x4000  }
0xa4: {  	[sflag:s12] =	ssyncset.done $0x0  }
0xa5: {  	s29 =	sadd.s32 $0x300, s28;
	[sflag:s12] =	ssyncadd.s32 $0xFFFFC000  }
0xa6: {  	[spmem:s3] =	stream.indirect.scatter.add.f32 [tilespmem:s14], [sflag:$0x3], $0x80, s29, s21, $0xb8;
	[tilespmem:$0x1D800] =	vst v63  }
0xa7: {  	_ =	swait.ge [sflag:s12], $0x4000  }
0xa8: {  	[sflag:s12] =	ssyncset.done $0x0  }
0xa9: {  	s29 =	sadd.s32 $0x380, s28;
	[sflag:s12] =	ssyncadd.s32 $0xFFFFC000  }
0xaa: {  	[spmem:s3] =	stream.indirect.scatter.add.f32 [tilespmem:s14], [sflag:$0x3], $0x80, s29, s21, $0xb8;
	[tilespmem:$0x1D800] =	vst v63  }
0xab: {  	_ =	swait.ge [sflag:s12], $0x4000  }
0xac: {  	[sflag:s12] =	ssyncset.done $0x0  }
0xad: {  	s29 =	sadd.s32 $0x400, s28;
	[sflag:s12] =	ssyncadd.s32 $0xFFFFC000  }
0xae: {  	[spmem:s3] =	stream.indirect.scatter.add.f32 [tilespmem:s14], [sflag:$0x3], $0x80, s29, s21, $0xb8;
	[tilespmem:$0x1D800] =	vst v63  }
0xaf: {  	_ =	swait.ge [sflag:s12], $0x4000  }
0xb0: {  	[sflag:s12] =	ssyncset.done $0x0  }
0xb1: {  	s29 =	sadd.s32 $0x480, s28;
	[sflag:s12] =	ssyncadd.s32 $0xFFFFC000  }
0xb2: {  	[spmem:s3] =	stream.indirect.scatter.add.f32 [tilespmem:s14], [sflag:$0x3], $0x80, s29, s21, $0xb8;
	[tilespmem:$0x1D800] =	vst v63  }
0xb3: {  	_ =	swait.ge [sflag:s12], $0x4000  }
0xb4: {  	[sflag:s12] =	ssyncset.done $0x0  }
0xb5: {  	[sflag:s12] =	ssyncadd.s32 $0xFFFFC000  }
0xb6: {  	[hbm4b:s26+s4] =	stream.linear.scatter [tilespmem:s18], [sflag:$0x3], $0x1400, $0x38;
	[tilespmem:$0x1D800] =	vst v63  }
0xb7: {  	_ =	swait.ge [sflag:s12], $0x1400  }
0xb8: {  	[sflag:s12] =	ssyncset.done $0x0  }
0xb9: {  	[sflag:s12] =	ssyncadd.s32 $0xFFFFEC00  }
0xba: {  	_ =	swait.ge [sflag:s22], $0x1400  }
0xbb: {  	[sflag:s22] =	ssyncset.done $0x0  }
0xbc: {  	[sflag:s22] =	ssyncadd.s32 $0xFFFFEC00  }
0xbd: {  	[tilespmem:s18], [sflag:$0x1] =	stream.indirect.gather [hbm4b:s2+s17], $0x80, s24, s17, $0xb8;
	[tilespmem:$0x1D800] =	vst v63  }
0xbe: {  	s29 =	sadd.s32 $0x500, s28  }
0xbf: {  	[spmem:s3] =	stream.indirect.scatter.add.f32 [tilespmem:s14], [sflag:$0x3], $0x80, s29, s21, $0xb8;
	[tilespmem:$0x1D800] =	vst v63  }
0xc0: {  	_ =	swait.ge [sflag:s12], $0x4000  }
0xc1: {  	[sflag:s12] =	ssyncset.done $0x0  }
0xc2: {  	s29 =	sadd.s32 $0x580, s28;
	[sflag:s12] =	ssyncadd.s32 $0xFFFFC000  }
0xc3: {  	[spmem:s3] =	stream.indirect.scatter.add.f32 [tilespmem:s14], [sflag:$0x3], $0x80, s29, s21, $0xb8;
	[tilespmem:$0x1D800] =	vst v63  }
0xc4: {  	_ =	swait.ge [sflag:s12], $0x4000  }
0xc5: {  	[sflag:s12] =	ssyncset.done $0x0  }
0xc6: {  	s29 =	sadd.s32 $0x600, s28;
	[sflag:s12] =	ssyncadd.s32 $0xFFFFC000  }
0xc7: {  	[spmem:s3] =	stream.indirect.scatter.add.f32 [tilespmem:s14], [sflag:$0x3], $0x80, s29, s21, $0xb8;
	[tilespmem:$0x1D800] =	vst v63  }
0xc8: {  	_ =	swait.ge [sflag:s12], $0x4000  }
0xc9: {  	[sflag:s12] =	ssyncset.done $0x0  }
0xca: {  	s29 =	sadd.s32 $0x680, s28;
	[sflag:s12] =	ssyncadd.s32 $0xFFFFC000  }
0xcb: {  	[spmem:s3] =	stream.indirect.scatter.add.f32 [tilespmem:s14], [sflag:$0x3], $0x80, s29, s21, $0xb8;
	[tilespmem:$0x1D800] =	vst v63  }
0xcc: {  	_ =	swait.ge [sflag:s12], $0x4000  }
0xcd: {  	[sflag:s12] =	ssyncset.done $0x0  }
0xce: {  	s29 =	sadd.s32 $0x700, s28;
	[sflag:s12] =	ssyncadd.s32 $0xFFFFC000  }
0xcf: {  	[spmem:s3] =	stream.indirect.scatter.add.f32 [tilespmem:s14], [sflag:$0x3], $0x80, s29, s21, $0xb8;
	[tilespmem:$0x1D800] =	vst v63  }
0xd0: {  	_ =	swait.ge [sflag:s12], $0x4000  }
0xd1: {  	[sflag:s12] =	ssyncset.done $0x0  }
0xd2: {  	s29 =	sadd.s32 $0x780, s28;
	[sflag:s12] =	ssyncadd.s32 $0xFFFFC000  }
0xd3: {  	[spmem:s3] =	stream.indirect.scatter.add.f32 [tilespmem:s14], [sflag:$0x3], $0x80, s29, s21, $0xb8;
	[tilespmem:$0x1D800] =	vst v63  }
0xd4: {  	_ =	swait.ge [sflag:s12], $0x4000  }
0xd5: {  	[sflag:s12] =	ssyncset.done $0x0  }
0xd6: {  	s29 =	sadd.s32 $0x800, s28;
	[sflag:s12] =	ssyncadd.s32 $0xFFFFC000  }
0xd7: {  	[spmem:s3] =	stream.indirect.scatter.add.f32 [tilespmem:s14], [sflag:$0x3], $0x80, s29, s21, $0xb8;
	[tilespmem:$0x1D800] =	vst v63  }
0xd8: {  	_ =	swait.ge [sflag:s12], $0x4000  }
0xd9: {  	[sflag:s12] =	ssyncset.done $0x0  }
0xda: {  	s29 =	sadd.s32 $0x880, s28;
	[sflag:s12] =	ssyncadd.s32 $0xFFFFC000  }
0xdb: {  	[spmem:s3] =	stream.indirect.scatter.add.f32 [tilespmem:s14], [sflag:$0x3], $0x80, s29, s21, $0xb8;
	[tilespmem:$0x1D800] =	vst v63  }
0xdc: {  	_ =	swait.ge [sflag:s12], $0x4000  }
0xdd: {  	[sflag:s12] =	ssyncset.done $0x0  }
0xde: {  	s29 =	sadd.s32 $0x900, s28;
	[sflag:s12] =	ssyncadd.s32 $0xFFFFC000  }
0xdf: {  	[spmem:s3] =	stream.indirect.scatter.add.f32 [tilespmem:s14], [sflag:$0x3], $0x80, s29, s21, $0xb8;
	[tilespmem:$0x1D800] =	vst v63  }
0xe0: {  	_ =	swait.ge [sflag:s12], $0x4000  }
0xe1: {  	[sflag:s12] =	ssyncset.done $0x0  }
0xe2: {  	s28 =	sadd.s32 $0x980, s28;
	[sflag:s12] =	ssyncadd.s32 $0xFFFFC000  }
0xe3: {  	[spmem:s3] =	stream.indirect.scatter.add.f32 [tilespmem:s14], [sflag:$0x3], $0x80, s28, s21, $0xb8;
	[tilespmem:$0x1D800] =	vst v63  }
0xe4: {  	_ =	swait.ge [sflag:s12], $0x4000  }
.Ltmp0:
0xe5: {  	[sflag:s12] =	ssyncset.done $0x0;
	(pc) =	sbr.rel @p0 .LBB2_2-.Ltmp0, $4  }
0xe6: {  	s28 =	sadd.s32 $0x280, s26;
	[sflag:s12] =	ssyncadd.s32 $0xFFFFC000  }
0xe7: {  	[hbm4b:s28+s4] =	stream.linear.scatter [tilespmem:s20], [sflag:$0x3], $0x1400, $0x38;
	[tilespmem:$0x1D800] =	vst v63  }
0xe8: {  	_ =	swait.ge [sflag:s12], $0x1400  }
0xe9: {  	[sflag:s12] =	ssyncset.done $0x0  }
0xea: {  	[sflag:s12] =	ssyncadd.s32 $0xFFFFEC00  }
0xeb: {  	_ =	swait.ge [sflag:s19], $0x1400  }
0xec: {  	s23 =	sadd.s32 $0x1, s23;
	[sflag:s19] =	ssyncset.done $0x0  }
0xed: {  	p0 =	sne.s32 s23, s10;
	[sflag:s19] =	ssyncadd.s32 $0xFFFFEC00  }
.Ltmp1:
0xee: {  	[bflag:$0x0] =	sbarrier.arrive $0xFFFF;
	(pc) =	sbr.rel @p0 .LBB2_1-.Ltmp1, $4  }
0xef: {  	[hbm:s9], [sflag:s15] =	dma.local [spmem:s16], $0x2800  }
0xf0: {  	_ =	swait.ge [sflag:s12], $0x2800  }
0xf1: {  	[sflag:s12] =	ssyncset.done $0x0  }
0xf2: {  	[sflag:s12] =	ssyncadd.s32 $0xFFFFD800  }
0xf3: {  	_ =	sfence.sel $0x180000  }
0xf4: {  	[bflag:$0x0] =	sbarrier.arrive $0xFFFF  }
0xf5: {  	p0 =	sne.s32 s0, $0x0;
	_ =	strace $0x90000047  }
0xf6: {  	s0 =	sadd.s32 @!p0 $0x100000, s1;
	[bflag:$0x2] =	sbarrier.arrive $0xFFFF  }
0xf7: {  	[sflag:s0] =	ssyncadd.tile.s32 @!p0 $0x1;
	_ =	shalt  }
.Lfunc_end2:
_tile_overlayer_lowered:
.L_overlay_start_2:
0xf8: {  	(tag) =	ssettag $0x2  }
0xf9: {  	s0 =	rddreg [dreg:$0x0];
	s2 =	stileid.u32  }
0xfa: {  	s1 =	rddreg [dreg:$0x1];
	p0 =	sne.s32 s2, $0x0  }
0xfb: {  	s3 =	rddreg [dreg:$0x2];
	[bflag:$0x3] =	sbarrier.arrive $0xFFFF;
	s2 =	simm.s32 @!p0 $0x1C03  }
0xfc: {  	[timem:s3], [sflag:s2] =	dma.local @!p0 [hbm:s0], s1  }
0xfd: {  	s0 =	simm.s32 @!p0 $0x3  }
0xfe: {  	_ =	swait.ge @!p0 [sflag:s0], s1  }
0xff: {  	s1 =	ssub.s32 @!p0 $0x0, s1;
	[sflag:s0] =	ssyncset.done @!p0 $0x0  }
0x100: {  	[sflag:s0] =	ssyncadd.s32 @!p0 s1  }
0x101: {  	[bflag:$0x3] =	sbarrier.arrive $0xFFFF  }
0x102: {  	_ =	shalt  }

</sc_bundles>
